<compile_context>
chip_gen: v7x
topology: tpu7x:2x2x1
jax: 0.10.2.dev20260603
libtpu: 0.0.44.dev20260713+nightly
codegen_flags: <defaults>
</compile_context>

<pallas_src>
import functools

import jax
import jax.numpy as jnp
from jax import lax
from jax.experimental import pallas as pl
from jax.experimental.pallas import tpu as pltpu
from jax.experimental.pallas import tpu_sc as plsc

NC, NS, L = 2, 16, 16
NW = NC * NS
N_ROWS = 1024 * 50
D = 1000
DP = 1024
RPW = N_ROWS // NW
CH = 16
NCHUNK = RPW // CH
NBUF = 4


def _rowstats_body(tab_ref, lse_ref):
    x = tab_ref[...]
    m = jnp.max(x, axis=1, keepdims=True)
    s = jnp.sum(jnp.exp(x - m), axis=1, keepdims=True)
    lse_ref[...] = jnp.log(s) + m


def _rowstats_call(table):
    r = pl.pallas_call(
        _rowstats_body,
        out_shape=jax.ShapeDtypeStruct((D, 1), jnp.float32),
    )(table)
    return r.reshape(D)


def _sc_body(table, idxr, tgtr, out, lse_o, tgl_o,
             idx_v, tgt_v, rows_v, lse_v, t_v, gsem, osem):
    wid = lax.axis_index("s") * NC + lax.axis_index("c")
    base = wid * RPW
    pltpu.sync_copy(idxr.at[pl.ds(base, RPW)], idx_v)
    pltpu.sync_copy(tgtr.at[pl.ds(base, RPW)], tgt_v)

    lanes = lax.iota(jnp.int32, L)
    lse_col = jnp.full((L,), D, jnp.int32)

    def gather(c, b):
        iv = idx_v.at[pl.ds(c * CH, CH)]
        pltpu.make_async_copy(table.at[iv], rows_v.at[b], gsem.at[b]).start()

    gather(0, 0)
    gather(1, 1)

    def loop_body(i, carry):
        for j in range(NBUF):
            c = NBUF * i + j
            b, b2 = j, (j + 2) % NBUF
            iv = idx_v.at[pl.ds(c * CH, CH)]
            pltpu.make_async_copy(table.at[iv], rows_v.at[b], gsem.at[b]).wait()
            tg = tgt_v[pl.ds(c * CH, L)]
            t_v[pl.ds(c * CH, L)] = plsc.load_gather(rows_v.at[b], [lanes, tg])
            lse_v[pl.ds(c * CH, L)] = plsc.load_gather(
                rows_v.at[b], [lanes, lse_col])
            pltpu.make_async_copy(
                rows_v.at[b, :, pl.ds(0, D)],
                out.at[pl.ds(base + c * CH, CH)], osem.at[b]
            ).start()
            @pl.when(c >= 2)
            def _():
                pltpu.make_async_copy(
                    rows_v.at[b2, :, pl.ds(0, D)], out.at[pl.ds(base, CH)],
                    osem.at[b2]
                ).wait()

            @pl.when(c + 2 < NCHUNK)
            def _():
                gather(c + 2, b2)

        return carry

    lax.fori_loop(0, NCHUNK // NBUF, loop_body, 0)
    for b in ((NCHUNK - 2) % NBUF, (NCHUNK - 1) % NBUF):
        pltpu.make_async_copy(
            rows_v.at[b, :, pl.ds(0, D)], out.at[pl.ds(base, CH)], osem.at[b]
        ).wait()
    pltpu.sync_copy(lse_v, lse_o.at[pl.ds(base, RPW)])
    pltpu.sync_copy(t_v, tgl_o.at[pl.ds(base, RPW)])


@functools.partial(jax.jit, static_argnums=())
def _sc_call(table, idxf, tgtf):
    mesh = plsc.VectorSubcoreMesh(core_axis_name="c", subcore_axis_name="s")
    return pl.kernel(
        _sc_body,
        out_type=(
            jax.ShapeDtypeStruct((N_ROWS, D), jnp.float32),
            jax.ShapeDtypeStruct((N_ROWS,), jnp.float32),
            jax.ShapeDtypeStruct((N_ROWS,), jnp.float32),
        ),
        mesh=mesh,
        compiler_params=pltpu.CompilerParams(
            use_tc_tiling_on_sc=False, needs_layout_passes=False),
        scratch_types=[
            pltpu.VMEM((RPW,), jnp.int32),
            pltpu.VMEM((RPW,), jnp.int32),
            pltpu.VMEM((NBUF, CH, DP), jnp.float32),
            pltpu.VMEM((RPW,), jnp.float32),
            pltpu.VMEM((RPW,), jnp.float32),
            pltpu.SemaphoreType.DMA((NBUF,)),
            pltpu.SemaphoreType.DMA((NBUF,)),
        ],
    )(table, idxf, tgtf)


def _loss_body(l_ref, t_ref, o_ref):
    o_ref[0, 0] = jnp.sum(l_ref[...] - t_ref[...]) * (1.0 / N_ROWS)


def _loss_call(lse, tgtl):
    r = pl.pallas_call(
        _loss_body,
        out_shape=jax.ShapeDtypeStruct((1, 1), jnp.float32),
        out_specs=pl.BlockSpec(memory_space=pltpu.SMEM),
    )(lse.reshape(400, 128), tgtl.reshape(400, 128))
    return r[0, 0]


def kernel(idx, targets, table):
    idxf = idx.reshape(-1).astype(jnp.int32)
    tgtf = targets.reshape(-1).astype(jnp.int32)
    rowlse = _rowstats_call(table)
    ext = jnp.concatenate(
        [table, rowlse[:, None], jnp.zeros((D, DP - D - 1), jnp.float32)],
        axis=1)
    out, lse, tgtl = _sc_call(ext, idxf, tgtf)
    loss = _loss_call(lse, tgtl)
    return out, loss

# --- scband reference (transcript-rebuilt; emitter-appended) ---
"""Pipeline reference for scband-bigram-language-model-84361747628133 (READ-ONLY COPY).

The authoritative reference and input builder live on the scoring server;
editing this copy changes nothing except your own understanding.
"""

import jax, jax.numpy as jnp
import numpy as np

VOCAB = 1000
B, T = 1024, 50


def setup_inputs(seed: int = 0) -> dict:
    key = jax.random.key(seed)
    k1, k2, k3 = jax.random.split(key, 3)
    idx = jax.random.randint(k1, (B, T), 0, VOCAB)
    targets = jax.random.randint(k2, (B, T), 0, VOCAB)
    # learned parameter: token embedding table [vocab_size, vocab_size]
    table = jax.random.normal(k3, (VOCAB, VOCAB), dtype=jnp.float32)
    return {"idx": idx, "targets": targets, "table": table}


def reference(idx, targets, table):
    # logits = self.token_embedding_table(idx)
    logits = jnp.take(table, idx, axis=0)  # [B, T, C]
    b, t, c = logits.shape
    logits2 = logits.reshape(b * t, c)
    tgt = targets.reshape(b * t)
    # F.cross_entropy(logits, targets) with mean reduction
    logp = jax.nn.log_softmax(logits2, axis=-1)
    nll = -jnp.take_along_axis(logp, tgt[:, None], axis=1)[:, 0]
    loss = jnp.mean(nll)
    return (logits2, loss)

if __name__ == "__main__":
    import jax
    _d = setup_inputs()
    print(jax.jit(kernel)(*tuple(_d.values())))

</pallas_src>

<mosaic_0001>
#map = affine_map<(d0, d1) -> (0, 0)>
#map1 = affine_map<(d0, d1) -> (0)>
module attributes {stable_mosaic.version = 14 : i64} {
  func.func @_sc_body(%arg0: i32, %arg1: i32, %arg2: memref<1000x1024xf32, #tpu.memory_space<hbm>>, %arg3: memref<51200xi32, #tpu.memory_space<hbm>>, %arg4: memref<51200xi32, #tpu.memory_space<hbm>>, %arg5: memref<51200x1000xf32, #tpu.memory_space<hbm>>, %arg6: memref<51200xf32, #tpu.memory_space<hbm>>, %arg7: memref<51200xf32, #tpu.memory_space<hbm>>, %arg8: memref<1600xi32, #tpu.memory_space<vmem>>, %arg9: memref<1600xi32, #tpu.memory_space<vmem>>, %arg10: memref<4x16x1024xf32, #tpu.memory_space<vmem>>, %arg11: memref<1600xf32, #tpu.memory_space<vmem>>, %arg12: memref<1600xf32, #tpu.memory_space<vmem>>, %arg13: memref<4x!tpu.dma_semaphore, #tpu.memory_space<semaphore_mem>>, %arg14: memref<4x!tpu.dma_semaphore, #tpu.memory_space<semaphore_mem>>) attributes {dimension_semantics = [#tpu.dimension_semantics<core_parallel>, #tpu.dimension_semantics<subcore_parallel>], iteration_bounds = array<i64: 2, 16>, scalar_prefetch = 0 : i64, scratch_operands = 7 : i64, tpu.core_type = #tpu.core_type<sc_vector_subcore>, window_params = [{transform_indices = #map}, {transform_indices = #map1}, {transform_indices = #map1}, {transform_indices = #map}, {transform_indices = #map1}, {transform_indices = #map1}]} {
    %mul3A = arith.constant 2 : i32
    %mul3A_0 = arith.muli %arg1, %mul3A : i32
    %add3A = arith.addi %mul3A_0, %arg0 : i32
    %mul3A_1 = arith.constant 1600 : i32
    %mul3A_2 = arith.muli %add3A, %mul3A_1 : i32
    "tpu.region"() ({
      %run_scoped3A = tpu.sem_alloc : memref<!tpu.dma_semaphore, #tpu.memory_space<semaphore_mem>>
      %dma_start3A_65 = tpu.memref_slice %arg3[%mul3A_2] : memref<51200xi32, #tpu.memory_space<hbm>> -> memref<1600xi32, #tpu.memory_space<hbm>>
      %dma_start3A_66 = tpu.memref_slice %arg3[%mul3A_2] : memref<51200xi32, #tpu.memory_space<hbm>> -> memref<1600xi32, #tpu.memory_space<hbm>>
      tpu.enqueue_dma source(%dma_start3A_66 : memref<1600xi32, #tpu.memory_space<hbm>>) target(%arg8 : memref<1600xi32, #tpu.memory_space<vmem>>) target_semaphore(%run_scoped3A : memref<!tpu.dma_semaphore, #tpu.memory_space<semaphore_mem>>)
      %dma_wait3A_67 = tpu.memref_slice %arg3[%mul3A_2] : memref<51200xi32, #tpu.memory_space<hbm>> -> memref<1600xi32, #tpu.memory_space<hbm>>
      %dma_wait3A_68 = tpu.memref_slice %arg3[%mul3A_2] : memref<51200xi32, #tpu.memory_space<hbm>> -> memref<1600xi32, #tpu.memory_space<hbm>>
      tpu.wait_dma2 semaphore(%run_scoped3A : memref<!tpu.dma_semaphore, #tpu.memory_space<semaphore_mem>>) src(%dma_wait3A_68 : memref<1600xi32, #tpu.memory_space<hbm>>) dst(%arg8 : memref<1600xi32, #tpu.memory_space<vmem>>)
      tpu.yield
    }) : () -> ()
    "tpu.region"() ({
      %run_scoped3A = tpu.sem_alloc : memref<!tpu.dma_semaphore, #tpu.memory_space<semaphore_mem>>
      %dma_start3A_65 = tpu.memref_slice %arg4[%mul3A_2] : memref<51200xi32, #tpu.memory_space<hbm>> -> memref<1600xi32, #tpu.memory_space<hbm>>
      %dma_start3A_66 = tpu.memref_slice %arg4[%mul3A_2] : memref<51200xi32, #tpu.memory_space<hbm>> -> memref<1600xi32, #tpu.memory_space<hbm>>
      tpu.enqueue_dma source(%dma_start3A_66 : memref<1600xi32, #tpu.memory_space<hbm>>) target(%arg9 : memref<1600xi32, #tpu.memory_space<vmem>>) target_semaphore(%run_scoped3A : memref<!tpu.dma_semaphore, #tpu.memory_space<semaphore_mem>>)
      %dma_wait3A_67 = tpu.memref_slice %arg4[%mul3A_2] : memref<51200xi32, #tpu.memory_space<hbm>> -> memref<1600xi32, #tpu.memory_space<hbm>>
      %dma_wait3A_68 = tpu.memref_slice %arg4[%mul3A_2] : memref<51200xi32, #tpu.memory_space<hbm>> -> memref<1600xi32, #tpu.memory_space<hbm>>
      tpu.wait_dma2 semaphore(%run_scoped3A : memref<!tpu.dma_semaphore, #tpu.memory_space<semaphore_mem>>) src(%dma_wait3A_68 : memref<1600xi32, #tpu.memory_space<hbm>>) dst(%arg9 : memref<1600xi32, #tpu.memory_space<vmem>>)
      tpu.yield
    }) : () -> ()
    %iota3A = tpu.iota {dimensions = array<i32: 0>} : vector<16xi32>
    %broadcast_in_dim3A = arith.constant 1000 : i32
    %broadcast_in_dim3A_3 = vector.broadcast %broadcast_in_dim3A : i32 to vector<16xi32>
    %dma_start3A = arith.constant 0 : i32
    %dma_start3A_4 = arith.constant 0 : i32
    %dma_start3A_5 = arith.constant 0 : i32
    %dma_start3A_6 = arith.constant 0 : i32
    %dma_start3A_7 = tpu.memref_slice %arg10[%dma_start3A, %dma_start3A_5, %dma_start3A_6] : memref<4x16x1024xf32, #tpu.memory_space<vmem>> -> memref<1x16x1024xf32, #tpu.memory_space<vmem>>
    %dma_start3A_8 = tpu.memref_squeeze %dma_start3A_7 : memref<1x16x1024xf32, #tpu.memory_space<vmem>> -> memref<16x1024xf32, #tpu.memory_space<vmem>>
    %dma_start3A_9 = arith.constant 0 : i32
    %dma_start3A_10 = tpu.memref_slice %arg8[%dma_start3A_9] : memref<1600xi32, #tpu.memory_space<vmem>> -> memref<16xi32, #tpu.memory_space<vmem>>
    %dma_start3A_11 = arith.constant 0 : i32
    %dma_start3A_12 = arith.constant 0 : i32
    %dma_start3A_13 = tpu.memref_slice %arg2[%dma_start3A_11, %dma_start3A_12] : memref<1000x1024xf32, #tpu.memory_space<hbm>> -> memref<1000x1024xf32, #tpu.memory_space<hbm>>
    %dma_start3A_14 = tpu.memref_slice %arg13[%dma_start3A_4] : memref<4x!tpu.dma_semaphore, #tpu.memory_space<semaphore_mem>> -> memref<1x!tpu.dma_semaphore, #tpu.memory_space<semaphore_mem>>
    %dma_start3A_15 = tpu.memref_squeeze %dma_start3A_14 : memref<1x!tpu.dma_semaphore, #tpu.memory_space<semaphore_mem>> -> memref<!tpu.dma_semaphore, #tpu.memory_space<semaphore_mem>>
    tpu.enqueue_indirect_dma source(%dma_start3A_13 : memref<1000x1024xf32, #tpu.memory_space<hbm>>) target(%dma_start3A_8 : memref<16x1024xf32, #tpu.memory_space<vmem>>) offsets(%dma_start3A_10 : memref<16xi32, #tpu.memory_space<vmem>>) semaphore(%dma_start3A_15 : memref<!tpu.dma_semaphore, #tpu.memory_space<semaphore_mem>>)
    %dma_start3A_16 = arith.constant 1 : i32
    %dma_start3A_17 = arith.constant 1 : i32
    %dma_start3A_18 = arith.constant 0 : i32
    %dma_start3A_19 = arith.constant 0 : i32
    %dma_start3A_20 = tpu.memref_slice %arg10[%dma_start3A_16, %dma_start3A_18, %dma_start3A_19] : memref<4x16x1024xf32, #tpu.memory_space<vmem>> -> memref<1x16x1024xf32, #tpu.memory_space<vmem>>
    %dma_start3A_21 = tpu.memref_squeeze %dma_start3A_20 : memref<1x16x1024xf32, #tpu.memory_space<vmem>> -> memref<16x1024xf32, #tpu.memory_space<vmem>>
    %dma_start3A_22 = arith.constant 16 : i32
    %dma_start3A_23 = tpu.memref_slice %arg8[%dma_start3A_22] : memref<1600xi32, #tpu.memory_space<vmem>> -> memref<16xi32, #tpu.memory_space<vmem>>
    %dma_start3A_24 = arith.constant 0 : i32
    %dma_start3A_25 = arith.constant 0 : i32
    %dma_start3A_26 = tpu.memref_slice %arg2[%dma_start3A_24, %dma_start3A_25] : memref<1000x1024xf32, #tpu.memory_space<hbm>> -> memref<1000x1024xf32, #tpu.memory_space<hbm>>
    %dma_start3A_27 = tpu.memref_slice %arg13[%dma_start3A_17] : memref<4x!tpu.dma_semaphore, #tpu.memory_space<semaphore_mem>> -> memref<1x!tpu.dma_semaphore, #tpu.memory_space<semaphore_mem>>
    %dma_start3A_28 = tpu.memref_squeeze %dma_start3A_27 : memref<1x!tpu.dma_semaphore, #tpu.memory_space<semaphore_mem>> -> memref<!tpu.dma_semaphore, #tpu.memory_space<semaphore_mem>>
    tpu.enqueue_indirect_dma source(%dma_start3A_26 : memref<1000x1024xf32, #tpu.memory_space<hbm>>) target(%dma_start3A_21 : memref<16x1024xf32, #tpu.memory_space<vmem>>) offsets(%dma_start3A_23 : memref<16xi32, #tpu.memory_space<vmem>>) semaphore(%dma_start3A_28 : memref<!tpu.dma_semaphore, #tpu.memory_space<semaphore_mem>>)
    %scan3A = arith.constant 0 : i32
    %scan3A_29 = arith.constant 0 : i32
    %scan3A_30 = arith.constant 25 : i32
    %scan3A_31 = arith.addi %scan3A_29, %scan3A_30 : i32
    %scan3A_32 = arith.constant 1 : i32
    scf.for %scan3A_65 = %scan3A_29 to %scan3A_31 step %scan3A_32  : i32 {
      %mul3A_66 = arith.constant 4 : i32
      %mul3A_67 = arith.muli %mul3A_66, %scan3A_65 : i32
      %add3A_68 = arith.constant 0 : i32
      %add3A_69 = arith.addi %mul3A_67, %add3A_68 : i32
      %mul3A_70 = arith.constant 16 : i32
      %mul3A_71 = arith.muli %add3A_69, %mul3A_70 : i32
      %dma_wait3A_72 = arith.constant 0 : i32
      %dma_wait3A_73 = arith.constant 0 : i32
      %dma_wait3A_74 = arith.constant 0 : i32
      %dma_wait3A_75 = arith.constant 0 : i32
      %dma_wait3A_76 = tpu.memref_slice %arg10[%dma_wait3A_72, %dma_wait3A_74, %dma_wait3A_75] : memref<4x16x1024xf32, #tpu.memory_space<vmem>> -> memref<1x16x1024xf32, #tpu.memory_space<vmem>>
      %dma_wait3A_77 = tpu.memref_squeeze %dma_wait3A_76 : memref<1x16x1024xf32, #tpu.memory_space<vmem>> -> memref<16x1024xf32, #tpu.memory_space<vmem>>
      %dma_wait3A_78 = tpu.memref_slice %arg8[%mul3A_71] : memref<1600xi32, #tpu.memory_space<vmem>> -> memref<16xi32, #tpu.memory_space<vmem>>
      %dma_wait3A_79 = arith.constant 0 : i32
      %dma_wait3A_80 = arith.constant 0 : i32
      %dma_wait3A_81 = tpu.memref_slice %arg2[%dma_wait3A_79, %dma_wait3A_80] : memref<1000x1024xf32, #tpu.memory_space<hbm>> -> memref<1000x1024xf32, #tpu.memory_space<hbm>>
      %dma_wait3A_82 = tpu.memref_slice %arg13[%dma_wait3A_73] : memref<4x!tpu.dma_semaphore, #tpu.memory_space<semaphore_mem>> -> memref<1x!tpu.dma_semaphore, #tpu.memory_space<semaphore_mem>>
      %dma_wait3A_83 = tpu.memref_squeeze %dma_wait3A_82 : memref<1x!tpu.dma_semaphore, #tpu.memory_space<semaphore_mem>> -> memref<!tpu.dma_semaphore, #tpu.memory_space<semaphore_mem>>
      tpu.wait_indirect_dma semaphore(%dma_wait3A_83 : memref<!tpu.dma_semaphore, #tpu.memory_space<semaphore_mem>>) src(%dma_wait3A_81 : memref<1000x1024xf32, #tpu.memory_space<hbm>>) dst(%dma_wait3A_77 : memref<16x1024xf32, #tpu.memory_space<vmem>>)
      %mul3A_84 = arith.constant 16 : i32
      %mul3A_85 = arith.muli %add3A_69, %mul3A_84 : i32
      %get3A = arith.index_cast %mul3A_85 : i32 to index
      %get3A_86 = tpu.vector_load %arg9[%get3A] {strides = array<i32>} : memref<1600xi32, #tpu.memory_space<vmem>>, vector<16xi32>,
      %gather3A = arith.constant 0 : i32
      %gather3A_87 = arith.constant 0 : i32
      %gather3A_88 = arith.constant 0 : i32
      %gather3A_89 = tpu.memref_slice %arg10[%gather3A, %gather3A_87, %gather3A_88] : memref<4x16x1024xf32, #tpu.memory_space<vmem>> -> memref<1x16x1024xf32, #tpu.memory_space<vmem>>
      %gather3A_90 = tpu.memref_squeeze %gather3A_89 : memref<1x16x1024xf32, #tpu.memory_space<vmem>> -> memref<16x1024xf32, #tpu.memory_space<vmem>>
      %gather3A_91 = tpu.vector_load_idx %gather3A_90[%iota3A, %get3A_86] : memref<16x1024xf32, #tpu.memory_space<vmem>>[vector<16xi32>, vector<16xi32>], vector<16xf32>,
      %mul3A_92 = arith.constant 16 : i32
      %mul3A_93 = arith.muli %add3A_69, %mul3A_92 : i32
      %swap3A = arith.index_cast %mul3A_93 : i32 to index
      %swap3A_94 = tpu.vector_load %arg12[%swap3A] {strides = array<i32>} : memref<1600xf32, #tpu.memory_space<vmem>>, vector<16xf32>,
      tpu.vector_store %arg12[%swap3A], %gather3A_91 {strides = array<i32>} : memref<1600xf32, #tpu.memory_space<vmem>>, vector<16xf32>,
      %gather3A_95 = arith.constant 0 : i32
      %gather3A_96 = arith.constant 0 : i32
      %gather3A_97 = arith.constant 0 : i32
      %gather3A_98 = tpu.memref_slice %arg10[%gather3A_95, %gather3A_96, %gather3A_97] : memref<4x16x1024xf32, #tpu.memory_space<vmem>> -> memref<1x16x1024xf32, #tpu.memory_space<vmem>>
      %gather3A_99 = tpu.memref_squeeze %gather3A_98 : memref<1x16x1024xf32, #tpu.memory_space<vmem>> -> memref<16x1024xf32, #tpu.memory_space<vmem>>
      %gather3A_100 = tpu.vector_load_idx %gather3A_99[%iota3A, %broadcast_in_dim3A_3] : memref<16x1024xf32, #tpu.memory_space<vmem>>[vector<16xi32>, vector<16xi32>], vector<16xf32>,
      %mul3A_101 = arith.constant 16 : i32
      %mul3A_102 = arith.muli %add3A_69, %mul3A_101 : i32
      %swap3A_103 = arith.index_cast %mul3A_102 : i32 to index
      %swap3A_104 = tpu.vector_load %arg11[%swap3A_103] {strides = array<i32>} : memref<1600xf32, #tpu.memory_space<vmem>>, vector<16xf32>,
      tpu.vector_store %arg11[%swap3A_103], %gather3A_100 {strides = array<i32>} : memref<1600xf32, #tpu.memory_space<vmem>>, vector<16xf32>,
      %mul3A_105 = arith.constant 16 : i32
      %mul3A_106 = arith.muli %add3A_69, %mul3A_105 : i32
      %add3A_107 = arith.addi %mul3A_2, %mul3A_106 : i32
      %dma_start3A_108 = arith.constant 0 : i32
      %dma_start3A_109 = arith.constant 0 : i32
      %dma_start3A_110 = arith.constant 0 : i32
      %dma_start3A_111 = arith.constant 0 : i32
      %dma_start3A_112 = tpu.memref_slice %arg10[%dma_start3A_108, %dma_start3A_110, %dma_start3A_111] : memref<4x16x1024xf32, #tpu.memory_space<vmem>> -> memref<1x16x1000xf32, #tpu.memory_space<vmem>>
      %dma_start3A_113 = tpu.memref_squeeze %dma_start3A_112 : memref<1x16x1000xf32, #tpu.memory_space<vmem>> -> memref<16x1000xf32, #tpu.memory_space<vmem>>
      %dma_start3A_114 = arith.constant 0 : i32
      %dma_start3A_115 = tpu.memref_slice %arg5[%add3A_107, %dma_start3A_114] : memref<51200x1000xf32, #tpu.memory_space<hbm>> -> memref<16x1000xf32, #tpu.memory_space<hbm>>
      %dma_start3A_116 = tpu.memref_slice %arg14[%dma_start3A_109] : memref<4x!tpu.dma_semaphore, #tpu.memory_space<semaphore_mem>> -> memref<1x!tpu.dma_semaphore, #tpu.memory_space<semaphore_mem>>
      %dma_start3A_117 = tpu.memref_squeeze %dma_start3A_116 : memref<1x!tpu.dma_semaphore, #tpu.memory_space<semaphore_mem>> -> memref<!tpu.dma_semaphore, #tpu.memory_space<semaphore_mem>>
      %dma_start3A_118 = arith.constant 0 : i32
      %dma_start3A_119 = tpu.memref_slice %arg5[%add3A_107, %dma_start3A_118] : memref<51200x1000xf32, #tpu.memory_space<hbm>> -> memref<16x1000xf32, #tpu.memory_space<hbm>>
      %dma_start3A_120 = arith.constant 0 : i32
      %dma_start3A_121 = arith.constant 0 : i32
      %dma_start3A_122 = tpu.memref_slice %arg10[%dma_start3A_108, %dma_start3A_120, %dma_start3A_121] : memref<4x16x1024xf32, #tpu.memory_space<vmem>> -> memref<1x16x1000xf32, #tpu.memory_space<vmem>>
      %dma_start3A_123 = tpu.memref_squeeze %dma_start3A_122 : memref<1x16x1000xf32, #tpu.memory_space<vmem>> -> memref<16x1000xf32, #tpu.memory_space<vmem>>
      tpu.enqueue_dma source(%dma_start3A_123 : memref<16x1000xf32, #tpu.memory_space<vmem>>) target(%dma_start3A_119 : memref<16x1000xf32, #tpu.memory_space<hbm>>) target_semaphore(%dma_start3A_117 : memref<!tpu.dma_semaphore, #tpu.memory_space<semaphore_mem>>)
      %ge3A = arith.constant 2 : i32
      %ge3A_124 = arith.cmpi sge, %add3A_69, %ge3A : i32
      %convert_element_type3A = arith.extui %ge3A_124 : i1 to i32
      %cond3A = arith.constant 0 : i32
      %cond3A_125 = arith.cmpi ne, %convert_element_type3A, %cond3A : i32
      scf.if %cond3A_125 {
        %dma_wait3A_351 = arith.constant 2 : i32
        %dma_wait3A_352 = arith.constant 2 : i32
        %dma_wait3A_353 = arith.constant 0 : i32
        %dma_wait3A_354 = arith.constant 0 : i32
        %dma_wait3A_355 = tpu.memref_slice %arg10[%dma_wait3A_351, %dma_wait3A_353, %dma_wait3A_354] : memref<4x16x1024xf32, #tpu.memory_space<vmem>> -> memref<1x16x1000xf32, #tpu.memory_space<vmem>>
        %dma_wait3A_356 = tpu.memref_squeeze %dma_wait3A_355 : memref<1x16x1000xf32, #tpu.memory_space<vmem>> -> memref<16x1000xf32, #tpu.memory_space<vmem>>
        %dma_wait3A_357 = arith.constant 0 : i32
        %dma_wait3A_358 = tpu.memref_slice %arg5[%mul3A_2, %dma_wait3A_357] : memref<51200x1000xf32, #tpu.memory_space<hbm>> -> memref<16x1000xf32, #tpu.memory_space<hbm>>
        %dma_wait3A_359 = tpu.memref_slice %arg14[%dma_wait3A_352] : memref<4x!tpu.dma_semaphore, #tpu.memory_space<semaphore_mem>> -> memref<1x!tpu.dma_semaphore, #tpu.memory_space<semaphore_mem>>
        %dma_wait3A_360 = tpu.memref_squeeze %dma_wait3A_359 : memref<1x!tpu.dma_semaphore, #tpu.memory_space<semaphore_mem>> -> memref<!tpu.dma_semaphore, #tpu.memory_space<semaphore_mem>>
        %dma_wait3A_361 = arith.constant 0 : i32
        %dma_wait3A_362 = tpu.memref_slice %arg5[%mul3A_2, %dma_wait3A_361] : memref<51200x1000xf32, #tpu.memory_space<hbm>> -> memref<16x1000xf32, #tpu.memory_space<hbm>>
        %dma_wait3A_363 = arith.constant 0 : i32
        %dma_wait3A_364 = arith.constant 0 : i32
        %dma_wait3A_365 = tpu.memref_slice %arg10[%dma_wait3A_351, %dma_wait3A_363, %dma_wait3A_364] : memref<4x16x1024xf32, #tpu.memory_space<vmem>> -> memref<1x16x1000xf32, #tpu.memory_space<vmem>>
        %dma_wait3A_366 = tpu.memref_squeeze %dma_wait3A_365 : memref<1x16x1000xf32, #tpu.memory_space<vmem>> -> memref<16x1000xf32, #tpu.memory_space<vmem>>
        tpu.wait_dma2 semaphore(%dma_wait3A_360 : memref<!tpu.dma_semaphore, #tpu.memory_space<semaphore_mem>>) src(%dma_wait3A_366 : memref<16x1000xf32, #tpu.memory_space<vmem>>) dst(%dma_wait3A_362 : memref<16x1000xf32, #tpu.memory_space<hbm>>)
      } else {
      }
      %add3A_126 = arith.constant 2 : i32
      %add3A_127 = arith.addi %add3A_69, %add3A_126 : i32
      %lt3A = arith.constant 100 : i32
      %lt3A_128 = arith.cmpi slt, %add3A_127, %lt3A : i32
      %convert_element_type3A_129 = arith.extui %lt3A_128 : i1 to i32
      %cond3A_130 = arith.constant 0 : i32
      %cond3A_131 = arith.cmpi ne, %convert_element_type3A_129, %cond3A_130 : i32
      scf.if %cond3A_131 {
        %add3A_351 = arith.constant 2 : i32
        %add3A_352 = arith.addi %add3A_69, %add3A_351 : i32
        %mul3A_353 = arith.constant 16 : i32
        %mul3A_354 = arith.muli %add3A_352, %mul3A_353 : i32
        %dma_start3A_355 = arith.constant 2 : i32
        %dma_start3A_356 = arith.constant 2 : i32
        %dma_start3A_357 = arith.constant 0 : i32
        %dma_start3A_358 = arith.constant 0 : i32
        %dma_start3A_359 = tpu.memref_slice %arg10[%dma_start3A_355, %dma_start3A_357, %dma_start3A_358] : memref<4x16x1024xf32, #tpu.memory_space<vmem>> -> memref<1x16x1024xf32, #tpu.memory_space<vmem>>
        %dma_start3A_360 = tpu.memref_squeeze %dma_start3A_359 : memref<1x16x1024xf32, #tpu.memory_space<vmem>> -> memref<16x1024xf32, #tpu.memory_space<vmem>>
        %dma_start3A_361 = tpu.memref_slice %arg8[%mul3A_354] : memref<1600xi32, #tpu.memory_space<vmem>> -> memref<16xi32, #tpu.memory_space<vmem>>
        %dma_start3A_362 = arith.constant 0 : i32
        %dma_start3A_363 = arith.constant 0 : i32
        %dma_start3A_364 = tpu.memref_slice %arg2[%dma_start3A_362, %dma_start3A_363] : memref<1000x1024xf32, #tpu.memory_space<hbm>> -> memref<1000x1024xf32, #tpu.memory_space<hbm>>
        %dma_start3A_365 = tpu.memref_slice %arg13[%dma_start3A_356] : memref<4x!tpu.dma_semaphore, #tpu.memory_space<semaphore_mem>> -> memref<1x!tpu.dma_semaphore, #tpu.memory_space<semaphore_mem>>
        %dma_start3A_366 = tpu.memref_squeeze %dma_start3A_365 : memref<1x!tpu.dma_semaphore, #tpu.memory_space<semaphore_mem>> -> memref<!tpu.dma_semaphore, #tpu.memory_space<semaphore_mem>>
        tpu.enqueue_indirect_dma source(%dma_start3A_364 : memref<1000x1024xf32, #tpu.memory_space<hbm>>) target(%dma_start3A_360 : memref<16x1024xf32, #tpu.memory_space<vmem>>) offsets(%dma_start3A_361 : memref<16xi32, #tpu.memory_space<vmem>>) semaphore(%dma_start3A_366 : memref<!tpu.dma_semaphore, #tpu.memory_space<semaphore_mem>>)
      } else {
      }
      %mul3A_132 = arith.constant 4 : i32
      %mul3A_133 = arith.muli %mul3A_132, %scan3A_65 : i32
      %add3A_134 = arith.constant 1 : i32
      %add3A_135 = arith.addi %mul3A_133, %add3A_134 : i32
      %mul3A_136 = arith.constant 16 : i32
      %mul3A_137 = arith.muli %add3A_135, %mul3A_136 : i32
      %dma_wait3A_138 = arith.constant 1 : i32
      %dma_wait3A_139 = arith.constant 1 : i32
      %dma_wait3A_140 = arith.constant 0 : i32
      %dma_wait3A_141 = arith.constant 0 : i32
      %dma_wait3A_142 = tpu.memref_slice %arg10[%dma_wait3A_138, %dma_wait3A_140, %dma_wait3A_141] : memref<4x16x1024xf32, #tpu.memory_space<vmem>> -> memref<1x16x1024xf32, #tpu.memory_space<vmem>>
      %dma_wait3A_143 = tpu.memref_squeeze %dma_wait3A_142 : memref<1x16x1024xf32, #tpu.memory_space<vmem>> -> memref<16x1024xf32, #tpu.memory_space<vmem>>
      %dma_wait3A_144 = tpu.memref_slice %arg8[%mul3A_137] : memref<1600xi32, #tpu.memory_space<vmem>> -> memref<16xi32, #tpu.memory_space<vmem>>
      %dma_wait3A_145 = arith.constant 0 : i32
      %dma_wait3A_146 = arith.constant 0 : i32
      %dma_wait3A_147 = tpu.memref_slice %arg2[%dma_wait3A_145, %dma_wait3A_146] : memref<1000x1024xf32, #tpu.memory_space<hbm>> -> memref<1000x1024xf32, #tpu.memory_space<hbm>>
      %dma_wait3A_148 = tpu.memref_slice %arg13[%dma_wait3A_139] : memref<4x!tpu.dma_semaphore, #tpu.memory_space<semaphore_mem>> -> memref<1x!tpu.dma_semaphore, #tpu.memory_space<semaphore_mem>>
      %dma_wait3A_149 = tpu.memref_squeeze %dma_wait3A_148 : memref<1x!tpu.dma_semaphore, #tpu.memory_space<semaphore_mem>> -> memref<!tpu.dma_semaphore, #tpu.memory_space<semaphore_mem>>
      tpu.wait_indirect_dma semaphore(%dma_wait3A_149 : memref<!tpu.dma_semaphore, #tpu.memory_space<semaphore_mem>>) src(%dma_wait3A_147 : memref<1000x1024xf32, #tpu.memory_space<hbm>>) dst(%dma_wait3A_143 : memref<16x1024xf32, #tpu.memory_space<vmem>>)
      %mul3A_150 = arith.constant 16 : i32
      %mul3A_151 = arith.muli %add3A_135, %mul3A_150 : i32
      %get3A_152 = arith.index_cast %mul3A_151 : i32 to index
      %get3A_153 = tpu.vector_load %arg9[%get3A_152] {strides = array<i32>} : memref<1600xi32, #tpu.memory_space<vmem>>, vector<16xi32>,
      %gather3A_154 = arith.constant 1 : i32
      %gather3A_155 = arith.constant 0 : i32
      %gather3A_156 = arith.constant 0 : i32
      %gather3A_157 = tpu.memref_slice %arg10[%gather3A_154, %gather3A_155, %gather3A_156] : memref<4x16x1024xf32, #tpu.memory_space<vmem>> -> memref<1x16x1024xf32, #tpu.memory_space<vmem>>
      %gather3A_158 = tpu.memref_squeeze %gather3A_157 : memref<1x16x1024xf32, #tpu.memory_space<vmem>> -> memref<16x1024xf32, #tpu.memory_space<vmem>>
      %gather3A_159 = tpu.vector_load_idx %gather3A_158[%iota3A, %get3A_153] : memref<16x1024xf32, #tpu.memory_space<vmem>>[vector<16xi32>, vector<16xi32>], vector<16xf32>,
      %mul3A_160 = arith.constant 16 : i32
      %mul3A_161 = arith.muli %add3A_135, %mul3A_160 : i32
      %swap3A_162 = arith.index_cast %mul3A_161 : i32 to index
      %swap3A_163 = tpu.vector_load %arg12[%swap3A_162] {strides = array<i32>} : memref<1600xf32, #tpu.memory_space<vmem>>, vector<16xf32>,
      tpu.vector_store %arg12[%swap3A_162], %gather3A_159 {strides = array<i32>} : memref<1600xf32, #tpu.memory_space<vmem>>, vector<16xf32>,
      %gather3A_164 = arith.constant 1 : i32
      %gather3A_165 = arith.constant 0 : i32
      %gather3A_166 = arith.constant 0 : i32
      %gather3A_167 = tpu.memref_slice %arg10[%gather3A_164, %gather3A_165, %gather3A_166] : memref<4x16x1024xf32, #tpu.memory_space<vmem>> -> memref<1x16x1024xf32, #tpu.memory_space<vmem>>
      %gather3A_168 = tpu.memref_squeeze %gather3A_167 : memref<1x16x1024xf32, #tpu.memory_space<vmem>> -> memref<16x1024xf32, #tpu.memory_space<vmem>>
      %gather3A_169 = tpu.vector_load_idx %gather3A_168[%iota3A, %broadcast_in_dim3A_3] : memref<16x1024xf32, #tpu.memory_space<vmem>>[vector<16xi32>, vector<16xi32>], vector<16xf32>,
      %mul3A_170 = arith.constant 16 : i32
      %mul3A_171 = arith.muli %add3A_135, %mul3A_170 : i32
      %swap3A_172 = arith.index_cast %mul3A_171 : i32 to index
      %swap3A_173 = tpu.vector_load %arg11[%swap3A_172] {strides = array<i32>} : memref<1600xf32, #tpu.memory_space<vmem>>, vector<16xf32>,
      tpu.vector_store %arg11[%swap3A_172], %gather3A_169 {strides = array<i32>} : memref<1600xf32, #tpu.memory_space<vmem>>, vector<16xf32>,
      %mul3A_174 = arith.constant 16 : i32
      %mul3A_175 = arith.muli %add3A_135, %mul3A_174 : i32
      %add3A_176 = arith.addi %mul3A_2, %mul3A_175 : i32
      %dma_start3A_177 = arith.constant 1 : i32
      %dma_start3A_178 = arith.constant 1 : i32
      %dma_start3A_179 = arith.constant 0 : i32
      %dma_start3A_180 = arith.constant 0 : i32
      %dma_start3A_181 = tpu.memref_slice %arg10[%dma_start3A_177, %dma_start3A_179, %dma_start3A_180] : memref<4x16x1024xf32, #tpu.memory_space<vmem>> -> memref<1x16x1000xf32, #tpu.memory_space<vmem>>
      %dma_start3A_182 = tpu.memref_squeeze %dma_start3A_181 : memref<1x16x1000xf32, #tpu.memory_space<vmem>> -> memref<16x1000xf32, #tpu.memory_space<vmem>>
      %dma_start3A_183 = arith.constant 0 : i32
      %dma_start3A_184 = tpu.memref_slice %arg5[%add3A_176, %dma_start3A_183] : memref<51200x1000xf32, #tpu.memory_space<hbm>> -> memref<16x1000xf32, #tpu.memory_space<hbm>>
      %dma_start3A_185 = tpu.memref_slice %arg14[%dma_start3A_178] : memref<4x!tpu.dma_semaphore, #tpu.memory_space<semaphore_mem>> -> memref<1x!tpu.dma_semaphore, #tpu.memory_space<semaphore_mem>>
      %dma_start3A_186 = tpu.memref_squeeze %dma_start3A_185 : memref<1x!tpu.dma_semaphore, #tpu.memory_space<semaphore_mem>> -> memref<!tpu.dma_semaphore, #tpu.memory_space<semaphore_mem>>
      %dma_start3A_187 = arith.constant 0 : i32
      %dma_start3A_188 = tpu.memref_slice %arg5[%add3A_176, %dma_start3A_187] : memref<51200x1000xf32, #tpu.memory_space<hbm>> -> memref<16x1000xf32, #tpu.memory_space<hbm>>
      %dma_start3A_189 = arith.constant 0 : i32
      %dma_start3A_190 = arith.constant 0 : i32
      %dma_start3A_191 = tpu.memref_slice %arg10[%dma_start3A_177, %dma_start3A_189, %dma_start3A_190] : memref<4x16x1024xf32, #tpu.memory_space<vmem>> -> memref<1x16x1000xf32, #tpu.memory_space<vmem>>
      %dma_start3A_192 = tpu.memref_squeeze %dma_start3A_191 : memref<1x16x1000xf32, #tpu.memory_space<vmem>> -> memref<16x1000xf32, #tpu.memory_space<vmem>>
      tpu.enqueue_dma source(%dma_start3A_192 : memref<16x1000xf32, #tpu.memory_space<vmem>>) target(%dma_start3A_188 : memref<16x1000xf32, #tpu.memory_space<hbm>>) target_semaphore(%dma_start3A_186 : memref<!tpu.dma_semaphore, #tpu.memory_space<semaphore_mem>>)
      %ge3A_193 = arith.constant 2 : i32
      %ge3A_194 = arith.cmpi sge, %add3A_135, %ge3A_193 : i32
      %convert_element_type3A_195 = arith.extui %ge3A_194 : i1 to i32
      %cond3A_196 = arith.constant 0 : i32
      %cond3A_197 = arith.cmpi ne, %convert_element_type3A_195, %cond3A_196 : i32
      scf.if %cond3A_197 {
        %dma_wait3A_351 = arith.constant 3 : i32
        %dma_wait3A_352 = arith.constant 3 : i32
        %dma_wait3A_353 = arith.constant 0 : i32
        %dma_wait3A_354 = arith.constant 0 : i32
        %dma_wait3A_355 = tpu.memref_slice %arg10[%dma_wait3A_351, %dma_wait3A_353, %dma_wait3A_354] : memref<4x16x1024xf32, #tpu.memory_space<vmem>> -> memref<1x16x1000xf32, #tpu.memory_space<vmem>>
        %dma_wait3A_356 = tpu.memref_squeeze %dma_wait3A_355 : memref<1x16x1000xf32, #tpu.memory_space<vmem>> -> memref<16x1000xf32, #tpu.memory_space<vmem>>
        %dma_wait3A_357 = arith.constant 0 : i32
        %dma_wait3A_358 = tpu.memref_slice %arg5[%mul3A_2, %dma_wait3A_357] : memref<51200x1000xf32, #tpu.memory_space<hbm>> -> memref<16x1000xf32, #tpu.memory_space<hbm>>
        %dma_wait3A_359 = tpu.memref_slice %arg14[%dma_wait3A_352] : memref<4x!tpu.dma_semaphore, #tpu.memory_space<semaphore_mem>> -> memref<1x!tpu.dma_semaphore, #tpu.memory_space<semaphore_mem>>
        %dma_wait3A_360 = tpu.memref_squeeze %dma_wait3A_359 : memref<1x!tpu.dma_semaphore, #tpu.memory_space<semaphore_mem>> -> memref<!tpu.dma_semaphore, #tpu.memory_space<semaphore_mem>>
        %dma_wait3A_361 = arith.constant 0 : i32
        %dma_wait3A_362 = tpu.memref_slice %arg5[%mul3A_2, %dma_wait3A_361] : memref<51200x1000xf32, #tpu.memory_space<hbm>> -> memref<16x1000xf32, #tpu.memory_space<hbm>>
        %dma_wait3A_363 = arith.constant 0 : i32
        %dma_wait3A_364 = arith.constant 0 : i32
        %dma_wait3A_365 = tpu.memref_slice %arg10[%dma_wait3A_351, %dma_wait3A_363, %dma_wait3A_364] : memref<4x16x1024xf32, #tpu.memory_space<vmem>> -> memref<1x16x1000xf32, #tpu.memory_space<vmem>>
        %dma_wait3A_366 = tpu.memref_squeeze %dma_wait3A_365 : memref<1x16x1000xf32, #tpu.memory_space<vmem>> -> memref<16x1000xf32, #tpu.memory_space<vmem>>
        tpu.wait_dma2 semaphore(%dma_wait3A_360 : memref<!tpu.dma_semaphore, #tpu.memory_space<semaphore_mem>>) src(%dma_wait3A_366 : memref<16x1000xf32, #tpu.memory_space<vmem>>) dst(%dma_wait3A_362 : memref<16x1000xf32, #tpu.memory_space<hbm>>)
      } else {
      }
      %add3A_198 = arith.constant 2 : i32
      %add3A_199 = arith.addi %add3A_135, %add3A_198 : i32
      %lt3A_200 = arith.constant 100 : i32
      %lt3A_201 = arith.cmpi slt, %add3A_199, %lt3A_200 : i32
      %convert_element_type3A_202 = arith.extui %lt3A_201 : i1 to i32
      %cond3A_203 = arith.constant 0 : i32
      %cond3A_204 = arith.cmpi ne, %convert_element_type3A_202, %cond3A_203 : i32
      scf.if %cond3A_204 {
        %add3A_351 = arith.constant 2 : i32
        %add3A_352 = arith.addi %add3A_135, %add3A_351 : i32
        %mul3A_353 = arith.constant 16 : i32
        %mul3A_354 = arith.muli %add3A_352, %mul3A_353 : i32
        %dma_start3A_355 = arith.constant 3 : i32
        %dma_start3A_356 = arith.constant 3 : i32
        %dma_start3A_357 = arith.constant 0 : i32
        %dma_start3A_358 = arith.constant 0 : i32
        %dma_start3A_359 = tpu.memref_slice %arg10[%dma_start3A_355, %dma_start3A_357, %dma_start3A_358] : memref<4x16x1024xf32, #tpu.memory_space<vmem>> -> memref<1x16x1024xf32, #tpu.memory_space<vmem>>
        %dma_start3A_360 = tpu.memref_squeeze %dma_start3A_359 : memref<1x16x1024xf32, #tpu.memory_space<vmem>> -> memref<16x1024xf32, #tpu.memory_space<vmem>>
        %dma_start3A_361 = tpu.memref_slice %arg8[%mul3A_354] : memref<1600xi32, #tpu.memory_space<vmem>> -> memref<16xi32, #tpu.memory_space<vmem>>
        %dma_start3A_362 = arith.constant 0 : i32
        %dma_start3A_363 = arith.constant 0 : i32
        %dma_start3A_364 = tpu.memref_slice %arg2[%dma_start3A_362, %dma_start3A_363] : memref<1000x1024xf32, #tpu.memory_space<hbm>> -> memref<1000x1024xf32, #tpu.memory_space<hbm>>
        %dma_start3A_365 = tpu.memref_slice %arg13[%dma_start3A_356] : memref<4x!tpu.dma_semaphore, #tpu.memory_space<semaphore_mem>> -> memref<1x!tpu.dma_semaphore, #tpu.memory_space<semaphore_mem>>
        %dma_start3A_366 = tpu.memref_squeeze %dma_start3A_365 : memref<1x!tpu.dma_semaphore, #tpu.memory_space<semaphore_mem>> -> memref<!tpu.dma_semaphore, #tpu.memory_space<semaphore_mem>>
        tpu.enqueue_indirect_dma source(%dma_start3A_364 : memref<1000x1024xf32, #tpu.memory_space<hbm>>) target(%dma_start3A_360 : memref<16x1024xf32, #tpu.memory_space<vmem>>) offsets(%dma_start3A_361 : memref<16xi32, #tpu.memory_space<vmem>>) semaphore(%dma_start3A_366 : memref<!tpu.dma_semaphore, #tpu.memory_space<semaphore_mem>>)
      } else {
      }
      %mul3A_205 = arith.constant 4 : i32
      %mul3A_206 = arith.muli %mul3A_205, %scan3A_65 : i32
      %add3A_207 = arith.constant 2 : i32
      %add3A_208 = arith.addi %mul3A_206, %add3A_207 : i32
      %mul3A_209 = arith.constant 16 : i32
      %mul3A_210 = arith.muli %add3A_208, %mul3A_209 : i32
      %dma_wait3A_211 = arith.constant 2 : i32
      %dma_wait3A_212 = arith.constant 2 : i32
      %dma_wait3A_213 = arith.constant 0 : i32
      %dma_wait3A_214 = arith.constant 0 : i32
      %dma_wait3A_215 = tpu.memref_slice %arg10[%dma_wait3A_211, %dma_wait3A_213, %dma_wait3A_214] : memref<4x16x1024xf32, #tpu.memory_space<vmem>> -> memref<1x16x1024xf32, #tpu.memory_space<vmem>>
      %dma_wait3A_216 = tpu.memref_squeeze %dma_wait3A_215 : memref<1x16x1024xf32, #tpu.memory_space<vmem>> -> memref<16x1024xf32, #tpu.memory_space<vmem>>
      %dma_wait3A_217 = tpu.memref_slice %arg8[%mul3A_210] : memref<1600xi32, #tpu.memory_space<vmem>> -> memref<16xi32, #tpu.memory_space<vmem>>
      %dma_wait3A_218 = arith.constant 0 : i32
      %dma_wait3A_219 = arith.constant 0 : i32
      %dma_wait3A_220 = tpu.memref_slice %arg2[%dma_wait3A_218, %dma_wait3A_219] : memref<1000x1024xf32, #tpu.memory_space<hbm>> -> memref<1000x1024xf32, #tpu.memory_space<hbm>>
      %dma_wait3A_221 = tpu.memref_slice %arg13[%dma_wait3A_212] : memref<4x!tpu.dma_semaphore, #tpu.memory_space<semaphore_mem>> -> memref<1x!tpu.dma_semaphore, #tpu.memory_space<semaphore_mem>>
      %dma_wait3A_222 = tpu.memref_squeeze %dma_wait3A_221 : memref<1x!tpu.dma_semaphore, #tpu.memory_space<semaphore_mem>> -> memref<!tpu.dma_semaphore, #tpu.memory_space<semaphore_mem>>
      tpu.wait_indirect_dma semaphore(%dma_wait3A_222 : memref<!tpu.dma_semaphore, #tpu.memory_space<semaphore_mem>>) src(%dma_wait3A_220 : memref<1000x1024xf32, #tpu.memory_space<hbm>>) dst(%dma_wait3A_216 : memref<16x1024xf32, #tpu.memory_space<vmem>>)
      %mul3A_223 = arith.constant 16 : i32
      %mul3A_224 = arith.muli %add3A_208, %mul3A_223 : i32
      %get3A_225 = arith.index_cast %mul3A_224 : i32 to index
      %get3A_226 = tpu.vector_load %arg9[%get3A_225] {strides = array<i32>} : memref<1600xi32, #tpu.memory_space<vmem>>, vector<16xi32>,
      %gather3A_227 = arith.constant 2 : i32
      %gather3A_228 = arith.constant 0 : i32
      %gather3A_229 = arith.constant 0 : i32
      %gather3A_230 = tpu.memref_slice %arg10[%gather3A_227, %gather3A_228, %gather3A_229] : memref<4x16x1024xf32, #tpu.memory_space<vmem>> -> memref<1x16x1024xf32, #tpu.memory_space<vmem>>
      %gather3A_231 = tpu.memref_squeeze %gather3A_230 : memref<1x16x1024xf32, #tpu.memory_space<vmem>> -> memref<16x1024xf32, #tpu.memory_space<vmem>>
      %gather3A_232 = tpu.vector_load_idx %gather3A_231[%iota3A, %get3A_226] : memref<16x1024xf32, #tpu.memory_space<vmem>>[vector<16xi32>, vector<16xi32>], vector<16xf32>,
      %mul3A_233 = arith.constant 16 : i32
      %mul3A_234 = arith.muli %add3A_208, %mul3A_233 : i32
      %swap3A_235 = arith.index_cast %mul3A_234 : i32 to index
      %swap3A_236 = tpu.vector_load %arg12[%swap3A_235] {strides = array<i32>} : memref<1600xf32, #tpu.memory_space<vmem>>, vector<16xf32>,
      tpu.vector_store %arg12[%swap3A_235], %gather3A_232 {strides = array<i32>} : memref<1600xf32, #tpu.memory_space<vmem>>, vector<16xf32>,
      %gather3A_237 = arith.constant 2 : i32
      %gather3A_238 = arith.constant 0 : i32
      %gather3A_239 = arith.constant 0 : i32
      %gather3A_240 = tpu.memref_slice %arg10[%gather3A_237, %gather3A_238, %gather3A_239] : memref<4x16x1024xf32, #tpu.memory_space<vmem>> -> memref<1x16x1024xf32, #tpu.memory_space<vmem>>
      %gather3A_241 = tpu.memref_squeeze %gather3A_240 : memref<1x16x1024xf32, #tpu.memory_space<vmem>> -> memref<16x1024xf32, #tpu.memory_space<vmem>>
      %gather3A_242 = tpu.vector_load_idx %gather3A_241[%iota3A, %broadcast_in_dim3A_3] : memref<16x1024xf32, #tpu.memory_space<vmem>>[vector<16xi32>, vector<16xi32>], vector<16xf32>,
      %mul3A_243 = arith.constant 16 : i32
      %mul3A_244 = arith.muli %add3A_208, %mul3A_243 : i32
      %swap3A_245 = arith.index_cast %mul3A_244 : i32 to index
      %swap3A_246 = tpu.vector_load %arg11[%swap3A_245] {strides = array<i32>} : memref<1600xf32, #tpu.memory_space<vmem>>, vector<16xf32>,
      tpu.vector_store %arg11[%swap3A_245], %gather3A_242 {strides = array<i32>} : memref<1600xf32, #tpu.memory_space<vmem>>, vector<16xf32>,
      %mul3A_247 = arith.constant 16 : i32
      %mul3A_248 = arith.muli %add3A_208, %mul3A_247 : i32
      %add3A_249 = arith.addi %mul3A_2, %mul3A_248 : i32
      %dma_start3A_250 = arith.constant 2 : i32
      %dma_start3A_251 = arith.constant 2 : i32
      %dma_start3A_252 = arith.constant 0 : i32
      %dma_start3A_253 = arith.constant 0 : i32
      %dma_start3A_254 = tpu.memref_slice %arg10[%dma_start3A_250, %dma_start3A_252, %dma_start3A_253] : memref<4x16x1024xf32, #tpu.memory_space<vmem>> -> memref<1x16x1000xf32, #tpu.memory_space<vmem>>
      %dma_start3A_255 = tpu.memref_squeeze %dma_start3A_254 : memref<1x16x1000xf32, #tpu.memory_space<vmem>> -> memref<16x1000xf32, #tpu.memory_space<vmem>>
      %dma_start3A_256 = arith.constant 0 : i32
      %dma_start3A_257 = tpu.memref_slice %arg5[%add3A_249, %dma_start3A_256] : memref<51200x1000xf32, #tpu.memory_space<hbm>> -> memref<16x1000xf32, #tpu.memory_space<hbm>>
      %dma_start3A_258 = tpu.memref_slice %arg14[%dma_start3A_251] : memref<4x!tpu.dma_semaphore, #tpu.memory_space<semaphore_mem>> -> memref<1x!tpu.dma_semaphore, #tpu.memory_space<semaphore_mem>>
      %dma_start3A_259 = tpu.memref_squeeze %dma_start3A_258 : memref<1x!tpu.dma_semaphore, #tpu.memory_space<semaphore_mem>> -> memref<!tpu.dma_semaphore, #tpu.memory_space<semaphore_mem>>
      %dma_start3A_260 = arith.constant 0 : i32
      %dma_start3A_261 = tpu.memref_slice %arg5[%add3A_249, %dma_start3A_260] : memref<51200x1000xf32, #tpu.memory_space<hbm>> -> memref<16x1000xf32, #tpu.memory_space<hbm>>
      %dma_start3A_262 = arith.constant 0 : i32
      %dma_start3A_263 = arith.constant 0 : i32
      %dma_start3A_264 = tpu.memref_slice %arg10[%dma_start3A_250, %dma_start3A_262, %dma_start3A_263] : memref<4x16x1024xf32, #tpu.memory_space<vmem>> -> memref<1x16x1000xf32, #tpu.memory_space<vmem>>
      %dma_start3A_265 = tpu.memref_squeeze %dma_start3A_264 : memref<1x16x1000xf32, #tpu.memory_space<vmem>> -> memref<16x1000xf32, #tpu.memory_space<vmem>>
      tpu.enqueue_dma source(%dma_start3A_265 : memref<16x1000xf32, #tpu.memory_space<vmem>>) target(%dma_start3A_261 : memref<16x1000xf32, #tpu.memory_space<hbm>>) target_semaphore(%dma_start3A_259 : memref<!tpu.dma_semaphore, #tpu.memory_space<semaphore_mem>>)
      %ge3A_266 = arith.constant 2 : i32
      %ge3A_267 = arith.cmpi sge, %add3A_208, %ge3A_266 : i32
      %convert_element_type3A_268 = arith.extui %ge3A_267 : i1 to i32
      %cond3A_269 = arith.constant 0 : i32
      %cond3A_270 = arith.cmpi ne, %convert_element_type3A_268, %cond3A_269 : i32
      scf.if %cond3A_270 {
        %dma_wait3A_351 = arith.constant 0 : i32
        %dma_wait3A_352 = arith.constant 0 : i32
        %dma_wait3A_353 = arith.constant 0 : i32
        %dma_wait3A_354 = arith.constant 0 : i32
        %dma_wait3A_355 = tpu.memref_slice %arg10[%dma_wait3A_351, %dma_wait3A_353, %dma_wait3A_354] : memref<4x16x1024xf32, #tpu.memory_space<vmem>> -> memref<1x16x1000xf32, #tpu.memory_space<vmem>>
        %dma_wait3A_356 = tpu.memref_squeeze %dma_wait3A_355 : memref<1x16x1000xf32, #tpu.memory_space<vmem>> -> memref<16x1000xf32, #tpu.memory_space<vmem>>
        %dma_wait3A_357 = arith.constant 0 : i32
        %dma_wait3A_358 = tpu.memref_slice %arg5[%mul3A_2, %dma_wait3A_357] : memref<51200x1000xf32, #tpu.memory_space<hbm>> -> memref<16x1000xf32, #tpu.memory_space<hbm>>
        %dma_wait3A_359 = tpu.memref_slice %arg14[%dma_wait3A_352] : memref<4x!tpu.dma_semaphore, #tpu.memory_space<semaphore_mem>> -> memref<1x!tpu.dma_semaphore, #tpu.memory_space<semaphore_mem>>
        %dma_wait3A_360 = tpu.memref_squeeze %dma_wait3A_359 : memref<1x!tpu.dma_semaphore, #tpu.memory_space<semaphore_mem>> -> memref<!tpu.dma_semaphore, #tpu.memory_space<semaphore_mem>>
        %dma_wait3A_361 = arith.constant 0 : i32
        %dma_wait3A_362 = tpu.memref_slice %arg5[%mul3A_2, %dma_wait3A_361] : memref<51200x1000xf32, #tpu.memory_space<hbm>> -> memref<16x1000xf32, #tpu.memory_space<hbm>>
        %dma_wait3A_363 = arith.constant 0 : i32
        %dma_wait3A_364 = arith.constant 0 : i32
        %dma_wait3A_365 = tpu.memref_slice %arg10[%dma_wait3A_351, %dma_wait3A_363, %dma_wait3A_364] : memref<4x16x1024xf32, #tpu.memory_space<vmem>> -> memref<1x16x1000xf32, #tpu.memory_space<vmem>>
        %dma_wait3A_366 = tpu.memref_squeeze %dma_wait3A_365 : memref<1x16x1000xf32, #tpu.memory_space<vmem>> -> memref<16x1000xf32, #tpu.memory_space<vmem>>
        tpu.wait_dma2 semaphore(%dma_wait3A_360 : memref<!tpu.dma_semaphore, #tpu.memory_space<semaphore_mem>>) src(%dma_wait3A_366 : memref<16x1000xf32, #tpu.memory_space<vmem>>) dst(%dma_wait3A_362 : memref<16x1000xf32, #tpu.memory_space<hbm>>)
      } else {
      }
      %add3A_271 = arith.constant 2 : i32
      %add3A_272 = arith.addi %add3A_208, %add3A_271 : i32
      %lt3A_273 = arith.constant 100 : i32
      %lt3A_274 = arith.cmpi slt, %add3A_272, %lt3A_273 : i32
      %convert_element_type3A_275 = arith.extui %lt3A_274 : i1 to i32
      %cond3A_276 = arith.constant 0 : i32
      %cond3A_277 = arith.cmpi ne, %convert_element_type3A_275, %cond3A_276 : i32
      scf.if %cond3A_277 {
        %add3A_351 = arith.constant 2 : i32
        %add3A_352 = arith.addi %add3A_208, %add3A_351 : i32
        %mul3A_353 = arith.constant 16 : i32
        %mul3A_354 = arith.muli %add3A_352, %mul3A_353 : i32
        %dma_start3A_355 = arith.constant 0 : i32
        %dma_start3A_356 = arith.constant 0 : i32
        %dma_start3A_357 = arith.constant 0 : i32
        %dma_start3A_358 = arith.constant 0 : i32
        %dma_start3A_359 = tpu.memref_slice %arg10[%dma_start3A_355, %dma_start3A_357, %dma_start3A_358] : memref<4x16x1024xf32, #tpu.memory_space<vmem>> -> memref<1x16x1024xf32, #tpu.memory_space<vmem>>
        %dma_start3A_360 = tpu.memref_squeeze %dma_start3A_359 : memref<1x16x1024xf32, #tpu.memory_space<vmem>> -> memref<16x1024xf32, #tpu.memory_space<vmem>>
        %dma_start3A_361 = tpu.memref_slice %arg8[%mul3A_354] : memref<1600xi32, #tpu.memory_space<vmem>> -> memref<16xi32, #tpu.memory_space<vmem>>
        %dma_start3A_362 = arith.constant 0 : i32
        %dma_start3A_363 = arith.constant 0 : i32
        %dma_start3A_364 = tpu.memref_slice %arg2[%dma_start3A_362, %dma_start3A_363] : memref<1000x1024xf32, #tpu.memory_space<hbm>> -> memref<1000x1024xf32, #tpu.memory_space<hbm>>
        %dma_start3A_365 = tpu.memref_slice %arg13[%dma_start3A_356] : memref<4x!tpu.dma_semaphore, #tpu.memory_space<semaphore_mem>> -> memref<1x!tpu.dma_semaphore, #tpu.memory_space<semaphore_mem>>
        %dma_start3A_366 = tpu.memref_squeeze %dma_start3A_365 : memref<1x!tpu.dma_semaphore, #tpu.memory_space<semaphore_mem>> -> memref<!tpu.dma_semaphore, #tpu.memory_space<semaphore_mem>>
        tpu.enqueue_indirect_dma source(%dma_start3A_364 : memref<1000x1024xf32, #tpu.memory_space<hbm>>) target(%dma_start3A_360 : memref<16x1024xf32, #tpu.memory_space<vmem>>) offsets(%dma_start3A_361 : memref<16xi32, #tpu.memory_space<vmem>>) semaphore(%dma_start3A_366 : memref<!tpu.dma_semaphore, #tpu.memory_space<semaphore_mem>>)
      } else {
      }
      %mul3A_278 = arith.constant 4 : i32
      %mul3A_279 = arith.muli %mul3A_278, %scan3A_65 : i32
      %add3A_280 = arith.constant 3 : i32
      %add3A_281 = arith.addi %mul3A_279, %add3A_280 : i32
      %mul3A_282 = arith.constant 16 : i32
      %mul3A_283 = arith.muli %add3A_281, %mul3A_282 : i32
      %dma_wait3A_284 = arith.constant 3 : i32
      %dma_wait3A_285 = arith.constant 3 : i32
      %dma_wait3A_286 = arith.constant 0 : i32
      %dma_wait3A_287 = arith.constant 0 : i32
      %dma_wait3A_288 = tpu.memref_slice %arg10[%dma_wait3A_284, %dma_wait3A_286, %dma_wait3A_287] : memref<4x16x1024xf32, #tpu.memory_space<vmem>> -> memref<1x16x1024xf32, #tpu.memory_space<vmem>>
      %dma_wait3A_289 = tpu.memref_squeeze %dma_wait3A_288 : memref<1x16x1024xf32, #tpu.memory_space<vmem>> -> memref<16x1024xf32, #tpu.memory_space<vmem>>
      %dma_wait3A_290 = tpu.memref_slice %arg8[%mul3A_283] : memref<1600xi32, #tpu.memory_space<vmem>> -> memref<16xi32, #tpu.memory_space<vmem>>
      %dma_wait3A_291 = arith.constant 0 : i32
      %dma_wait3A_292 = arith.constant 0 : i32
      %dma_wait3A_293 = tpu.memref_slice %arg2[%dma_wait3A_291, %dma_wait3A_292] : memref<1000x1024xf32, #tpu.memory_space<hbm>> -> memref<1000x1024xf32, #tpu.memory_space<hbm>>
      %dma_wait3A_294 = tpu.memref_slice %arg13[%dma_wait3A_285] : memref<4x!tpu.dma_semaphore, #tpu.memory_space<semaphore_mem>> -> memref<1x!tpu.dma_semaphore, #tpu.memory_space<semaphore_mem>>
      %dma_wait3A_295 = tpu.memref_squeeze %dma_wait3A_294 : memref<1x!tpu.dma_semaphore, #tpu.memory_space<semaphore_mem>> -> memref<!tpu.dma_semaphore, #tpu.memory_space<semaphore_mem>>
      tpu.wait_indirect_dma semaphore(%dma_wait3A_295 : memref<!tpu.dma_semaphore, #tpu.memory_space<semaphore_mem>>) src(%dma_wait3A_293 : memref<1000x1024xf32, #tpu.memory_space<hbm>>) dst(%dma_wait3A_289 : memref<16x1024xf32, #tpu.memory_space<vmem>>)
      %mul3A_296 = arith.constant 16 : i32
      %mul3A_297 = arith.muli %add3A_281, %mul3A_296 : i32
      %get3A_298 = arith.index_cast %mul3A_297 : i32 to index
      %get3A_299 = tpu.vector_load %arg9[%get3A_298] {strides = array<i32>} : memref<1600xi32, #tpu.memory_space<vmem>>, vector<16xi32>,
      %gather3A_300 = arith.constant 3 : i32
      %gather3A_301 = arith.constant 0 : i32
      %gather3A_302 = arith.constant 0 : i32
      %gather3A_303 = tpu.memref_slice %arg10[%gather3A_300, %gather3A_301, %gather3A_302] : memref<4x16x1024xf32, #tpu.memory_space<vmem>> -> memref<1x16x1024xf32, #tpu.memory_space<vmem>>
      %gather3A_304 = tpu.memref_squeeze %gather3A_303 : memref<1x16x1024xf32, #tpu.memory_space<vmem>> -> memref<16x1024xf32, #tpu.memory_space<vmem>>
      %gather3A_305 = tpu.vector_load_idx %gather3A_304[%iota3A, %get3A_299] : memref<16x1024xf32, #tpu.memory_space<vmem>>[vector<16xi32>, vector<16xi32>], vector<16xf32>,
      %mul3A_306 = arith.constant 16 : i32
      %mul3A_307 = arith.muli %add3A_281, %mul3A_306 : i32
      %swap3A_308 = arith.index_cast %mul3A_307 : i32 to index
      %swap3A_309 = tpu.vector_load %arg12[%swap3A_308] {strides = array<i32>} : memref<1600xf32, #tpu.memory_space<vmem>>, vector<16xf32>,
      tpu.vector_store %arg12[%swap3A_308], %gather3A_305 {strides = array<i32>} : memref<1600xf32, #tpu.memory_space<vmem>>, vector<16xf32>,
      %gather3A_310 = arith.constant 3 : i32
      %gather3A_311 = arith.constant 0 : i32
      %gather3A_312 = arith.constant 0 : i32
      %gather3A_313 = tpu.memref_slice %arg10[%gather3A_310, %gather3A_311, %gather3A_312] : memref<4x16x1024xf32, #tpu.memory_space<vmem>> -> memref<1x16x1024xf32, #tpu.memory_space<vmem>>
      %gather3A_314 = tpu.memref_squeeze %gather3A_313 : memref<1x16x1024xf32, #tpu.memory_space<vmem>> -> memref<16x1024xf32, #tpu.memory_space<vmem>>
      %gather3A_315 = tpu.vector_load_idx %gather3A_314[%iota3A, %broadcast_in_dim3A_3] : memref<16x1024xf32, #tpu.memory_space<vmem>>[vector<16xi32>, vector<16xi32>], vector<16xf32>,
      %mul3A_316 = arith.constant 16 : i32
      %mul3A_317 = arith.muli %add3A_281, %mul3A_316 : i32
      %swap3A_318 = arith.index_cast %mul3A_317 : i32 to index
      %swap3A_319 = tpu.vector_load %arg11[%swap3A_318] {strides = array<i32>} : memref<1600xf32, #tpu.memory_space<vmem>>, vector<16xf32>,
      tpu.vector_store %arg11[%swap3A_318], %gather3A_315 {strides = array<i32>} : memref<1600xf32, #tpu.memory_space<vmem>>, vector<16xf32>,
      %mul3A_320 = arith.constant 16 : i32
      %mul3A_321 = arith.muli %add3A_281, %mul3A_320 : i32
      %add3A_322 = arith.addi %mul3A_2, %mul3A_321 : i32
      %dma_start3A_323 = arith.constant 3 : i32
      %dma_start3A_324 = arith.constant 3 : i32
      %dma_start3A_325 = arith.constant 0 : i32
      %dma_start3A_326 = arith.constant 0 : i32
      %dma_start3A_327 = tpu.memref_slice %arg10[%dma_start3A_323, %dma_start3A_325, %dma_start3A_326] : memref<4x16x1024xf32, #tpu.memory_space<vmem>> -> memref<1x16x1000xf32, #tpu.memory_space<vmem>>
      %dma_start3A_328 = tpu.memref_squeeze %dma_start3A_327 : memref<1x16x1000xf32, #tpu.memory_space<vmem>> -> memref<16x1000xf32, #tpu.memory_space<vmem>>
      %dma_start3A_329 = arith.constant 0 : i32
      %dma_start3A_330 = tpu.memref_slice %arg5[%add3A_322, %dma_start3A_329] : memref<51200x1000xf32, #tpu.memory_space<hbm>> -> memref<16x1000xf32, #tpu.memory_space<hbm>>
      %dma_start3A_331 = tpu.memref_slice %arg14[%dma_start3A_324] : memref<4x!tpu.dma_semaphore, #tpu.memory_space<semaphore_mem>> -> memref<1x!tpu.dma_semaphore, #tpu.memory_space<semaphore_mem>>
      %dma_start3A_332 = tpu.memref_squeeze %dma_start3A_331 : memref<1x!tpu.dma_semaphore, #tpu.memory_space<semaphore_mem>> -> memref<!tpu.dma_semaphore, #tpu.memory_space<semaphore_mem>>
      %dma_start3A_333 = arith.constant 0 : i32
      %dma_start3A_334 = tpu.memref_slice %arg5[%add3A_322, %dma_start3A_333] : memref<51200x1000xf32, #tpu.memory_space<hbm>> -> memref<16x1000xf32, #tpu.memory_space<hbm>>
      %dma_start3A_335 = arith.constant 0 : i32
      %dma_start3A_336 = arith.constant 0 : i32
      %dma_start3A_337 = tpu.memref_slice %arg10[%dma_start3A_323, %dma_start3A_335, %dma_start3A_336] : memref<4x16x1024xf32, #tpu.memory_space<vmem>> -> memref<1x16x1000xf32, #tpu.memory_space<vmem>>
      %dma_start3A_338 = tpu.memref_squeeze %dma_start3A_337 : memref<1x16x1000xf32, #tpu.memory_space<vmem>> -> memref<16x1000xf32, #tpu.memory_space<vmem>>
      tpu.enqueue_dma source(%dma_start3A_338 : memref<16x1000xf32, #tpu.memory_space<vmem>>) target(%dma_start3A_334 : memref<16x1000xf32, #tpu.memory_space<hbm>>) target_semaphore(%dma_start3A_332 : memref<!tpu.dma_semaphore, #tpu.memory_space<semaphore_mem>>)
      %ge3A_339 = arith.constant 2 : i32
      %ge3A_340 = arith.cmpi sge, %add3A_281, %ge3A_339 : i32
      %convert_element_type3A_341 = arith.extui %ge3A_340 : i1 to i32
      %cond3A_342 = arith.constant 0 : i32
      %cond3A_343 = arith.cmpi ne, %convert_element_type3A_341, %cond3A_342 : i32
      scf.if %cond3A_343 {
        %dma_wait3A_351 = arith.constant 1 : i32
        %dma_wait3A_352 = arith.constant 1 : i32
        %dma_wait3A_353 = arith.constant 0 : i32
        %dma_wait3A_354 = arith.constant 0 : i32
        %dma_wait3A_355 = tpu.memref_slice %arg10[%dma_wait3A_351, %dma_wait3A_353, %dma_wait3A_354] : memref<4x16x1024xf32, #tpu.memory_space<vmem>> -> memref<1x16x1000xf32, #tpu.memory_space<vmem>>
        %dma_wait3A_356 = tpu.memref_squeeze %dma_wait3A_355 : memref<1x16x1000xf32, #tpu.memory_space<vmem>> -> memref<16x1000xf32, #tpu.memory_space<vmem>>
        %dma_wait3A_357 = arith.constant 0 : i32
        %dma_wait3A_358 = tpu.memref_slice %arg5[%mul3A_2, %dma_wait3A_357] : memref<51200x1000xf32, #tpu.memory_space<hbm>> -> memref<16x1000xf32, #tpu.memory_space<hbm>>
        %dma_wait3A_359 = tpu.memref_slice %arg14[%dma_wait3A_352] : memref<4x!tpu.dma_semaphore, #tpu.memory_space<semaphore_mem>> -> memref<1x!tpu.dma_semaphore, #tpu.memory_space<semaphore_mem>>
        %dma_wait3A_360 = tpu.memref_squeeze %dma_wait3A_359 : memref<1x!tpu.dma_semaphore, #tpu.memory_space<semaphore_mem>> -> memref<!tpu.dma_semaphore, #tpu.memory_space<semaphore_mem>>
        %dma_wait3A_361 = arith.constant 0 : i32
        %dma_wait3A_362 = tpu.memref_slice %arg5[%mul3A_2, %dma_wait3A_361] : memref<51200x1000xf32, #tpu.memory_space<hbm>> -> memref<16x1000xf32, #tpu.memory_space<hbm>>
        %dma_wait3A_363 = arith.constant 0 : i32
        %dma_wait3A_364 = arith.constant 0 : i32
        %dma_wait3A_365 = tpu.memref_slice %arg10[%dma_wait3A_351, %dma_wait3A_363, %dma_wait3A_364] : memref<4x16x1024xf32, #tpu.memory_space<vmem>> -> memref<1x16x1000xf32, #tpu.memory_space<vmem>>
        %dma_wait3A_366 = tpu.memref_squeeze %dma_wait3A_365 : memref<1x16x1000xf32, #tpu.memory_space<vmem>> -> memref<16x1000xf32, #tpu.memory_space<vmem>>
        tpu.wait_dma2 semaphore(%dma_wait3A_360 : memref<!tpu.dma_semaphore, #tpu.memory_space<semaphore_mem>>) src(%dma_wait3A_366 : memref<16x1000xf32, #tpu.memory_space<vmem>>) dst(%dma_wait3A_362 : memref<16x1000xf32, #tpu.memory_space<hbm>>)
      } else {
      }
      %add3A_344 = arith.constant 2 : i32
      %add3A_345 = arith.addi %add3A_281, %add3A_344 : i32
      %lt3A_346 = arith.constant 100 : i32
      %lt3A_347 = arith.cmpi slt, %add3A_345, %lt3A_346 : i32
      %convert_element_type3A_348 = arith.extui %lt3A_347 : i1 to i32
      %cond3A_349 = arith.constant 0 : i32
      %cond3A_350 = arith.cmpi ne, %convert_element_type3A_348, %cond3A_349 : i32
      scf.if %cond3A_350 {
        %add3A_351 = arith.constant 2 : i32
        %add3A_352 = arith.addi %add3A_281, %add3A_351 : i32
        %mul3A_353 = arith.constant 16 : i32
        %mul3A_354 = arith.muli %add3A_352, %mul3A_353 : i32
        %dma_start3A_355 = arith.constant 1 : i32
        %dma_start3A_356 = arith.constant 1 : i32
        %dma_start3A_357 = arith.constant 0 : i32
        %dma_start3A_358 = arith.constant 0 : i32
        %dma_start3A_359 = tpu.memref_slice %arg10[%dma_start3A_355, %dma_start3A_357, %dma_start3A_358] : memref<4x16x1024xf32, #tpu.memory_space<vmem>> -> memref<1x16x1024xf32, #tpu.memory_space<vmem>>
        %dma_start3A_360 = tpu.memref_squeeze %dma_start3A_359 : memref<1x16x1024xf32, #tpu.memory_space<vmem>> -> memref<16x1024xf32, #tpu.memory_space<vmem>>
        %dma_start3A_361 = tpu.memref_slice %arg8[%mul3A_354] : memref<1600xi32, #tpu.memory_space<vmem>> -> memref<16xi32, #tpu.memory_space<vmem>>
        %dma_start3A_362 = arith.constant 0 : i32
        %dma_start3A_363 = arith.constant 0 : i32
        %dma_start3A_364 = tpu.memref_slice %arg2[%dma_start3A_362, %dma_start3A_363] : memref<1000x1024xf32, #tpu.memory_space<hbm>> -> memref<1000x1024xf32, #tpu.memory_space<hbm>>
        %dma_start3A_365 = tpu.memref_slice %arg13[%dma_start3A_356] : memref<4x!tpu.dma_semaphore, #tpu.memory_space<semaphore_mem>> -> memref<1x!tpu.dma_semaphore, #tpu.memory_space<semaphore_mem>>
        %dma_start3A_366 = tpu.memref_squeeze %dma_start3A_365 : memref<1x!tpu.dma_semaphore, #tpu.memory_space<semaphore_mem>> -> memref<!tpu.dma_semaphore, #tpu.memory_space<semaphore_mem>>
        tpu.enqueue_indirect_dma source(%dma_start3A_364 : memref<1000x1024xf32, #tpu.memory_space<hbm>>) target(%dma_start3A_360 : memref<16x1024xf32, #tpu.memory_space<vmem>>) offsets(%dma_start3A_361 : memref<16xi32, #tpu.memory_space<vmem>>) semaphore(%dma_start3A_366 : memref<!tpu.dma_semaphore, #tpu.memory_space<semaphore_mem>>)
      } else {
      }
    }
    %scan3A_33 = arith.constant 25 : i32
    %dma_wait3A = arith.constant 2 : i32
    %dma_wait3A_34 = arith.constant 2 : i32
    %dma_wait3A_35 = arith.constant 0 : i32
    %dma_wait3A_36 = arith.constant 0 : i32
    %dma_wait3A_37 = tpu.memref_slice %arg10[%dma_wait3A, %dma_wait3A_35, %dma_wait3A_36] : memref<4x16x1024xf32, #tpu.memory_space<vmem>> -> memref<1x16x1000xf32, #tpu.memory_space<vmem>>
    %dma_wait3A_38 = tpu.memref_squeeze %dma_wait3A_37 : memref<1x16x1000xf32, #tpu.memory_space<vmem>> -> memref<16x1000xf32, #tpu.memory_space<vmem>>
    %dma_wait3A_39 = arith.constant 0 : i32
    %dma_wait3A_40 = tpu.memref_slice %arg5[%mul3A_2, %dma_wait3A_39] : memref<51200x1000xf32, #tpu.memory_space<hbm>> -> memref<16x1000xf32, #tpu.memory_space<hbm>>
    %dma_wait3A_41 = tpu.memref_slice %arg14[%dma_wait3A_34] : memref<4x!tpu.dma_semaphore, #tpu.memory_space<semaphore_mem>> -> memref<1x!tpu.dma_semaphore, #tpu.memory_space<semaphore_mem>>
    %dma_wait3A_42 = tpu.memref_squeeze %dma_wait3A_41 : memref<1x!tpu.dma_semaphore, #tpu.memory_space<semaphore_mem>> -> memref<!tpu.dma_semaphore, #tpu.memory_space<semaphore_mem>>
    %dma_wait3A_43 = arith.constant 0 : i32
    %dma_wait3A_44 = tpu.memref_slice %arg5[%mul3A_2, %dma_wait3A_43] : memref<51200x1000xf32, #tpu.memory_space<hbm>> -> memref<16x1000xf32, #tpu.memory_space<hbm>>
    %dma_wait3A_45 = arith.constant 0 : i32
    %dma_wait3A_46 = arith.constant 0 : i32
    %dma_wait3A_47 = tpu.memref_slice %arg10[%dma_wait3A, %dma_wait3A_45, %dma_wait3A_46] : memref<4x16x1024xf32, #tpu.memory_space<vmem>> -> memref<1x16x1000xf32, #tpu.memory_space<vmem>>
    %dma_wait3A_48 = tpu.memref_squeeze %dma_wait3A_47 : memref<1x16x1000xf32, #tpu.memory_space<vmem>> -> memref<16x1000xf32, #tpu.memory_space<vmem>>
    tpu.wait_dma2 semaphore(%dma_wait3A_42 : memref<!tpu.dma_semaphore, #tpu.memory_space<semaphore_mem>>) src(%dma_wait3A_48 : memref<16x1000xf32, #tpu.memory_space<vmem>>) dst(%dma_wait3A_44 : memref<16x1000xf32, #tpu.memory_space<hbm>>)
    %dma_wait3A_49 = arith.constant 3 : i32
    %dma_wait3A_50 = arith.constant 3 : i32
    %dma_wait3A_51 = arith.constant 0 : i32
    %dma_wait3A_52 = arith.constant 0 : i32
    %dma_wait3A_53 = tpu.memref_slice %arg10[%dma_wait3A_49, %dma_wait3A_51, %dma_wait3A_52] : memref<4x16x1024xf32, #tpu.memory_space<vmem>> -> memref<1x16x1000xf32, #tpu.memory_space<vmem>>
    %dma_wait3A_54 = tpu.memref_squeeze %dma_wait3A_53 : memref<1x16x1000xf32, #tpu.memory_space<vmem>> -> memref<16x1000xf32, #tpu.memory_space<vmem>>
    %dma_wait3A_55 = arith.constant 0 : i32
    %dma_wait3A_56 = tpu.memref_slice %arg5[%mul3A_2, %dma_wait3A_55] : memref<51200x1000xf32, #tpu.memory_space<hbm>> -> memref<16x1000xf32, #tpu.memory_space<hbm>>
    %dma_wait3A_57 = tpu.memref_slice %arg14[%dma_wait3A_50] : memref<4x!tpu.dma_semaphore, #tpu.memory_space<semaphore_mem>> -> memref<1x!tpu.dma_semaphore, #tpu.memory_space<semaphore_mem>>
    %dma_wait3A_58 = tpu.memref_squeeze %dma_wait3A_57 : memref<1x!tpu.dma_semaphore, #tpu.memory_space<semaphore_mem>> -> memref<!tpu.dma_semaphore, #tpu.memory_space<semaphore_mem>>
    %dma_wait3A_59 = arith.constant 0 : i32
    %dma_wait3A_60 = tpu.memref_slice %arg5[%mul3A_2, %dma_wait3A_59] : memref<51200x1000xf32, #tpu.memory_space<hbm>> -> memref<16x1000xf32, #tpu.memory_space<hbm>>
    %dma_wait3A_61 = arith.constant 0 : i32
    %dma_wait3A_62 = arith.constant 0 : i32
    %dma_wait3A_63 = tpu.memref_slice %arg10[%dma_wait3A_49, %dma_wait3A_61, %dma_wait3A_62] : memref<4x16x1024xf32, #tpu.memory_space<vmem>> -> memref<1x16x1000xf32, #tpu.memory_space<vmem>>
    %dma_wait3A_64 = tpu.memref_squeeze %dma_wait3A_63 : memref<1x16x1000xf32, #tpu.memory_space<vmem>> -> memref<16x1000xf32, #tpu.memory_space<vmem>>
    tpu.wait_dma2 semaphore(%dma_wait3A_58 : memref<!tpu.dma_semaphore, #tpu.memory_space<semaphore_mem>>) src(%dma_wait3A_64 : memref<16x1000xf32, #tpu.memory_space<vmem>>) dst(%dma_wait3A_60 : memref<16x1000xf32, #tpu.memory_space<hbm>>)
    "tpu.region"() ({
      %run_scoped3A = tpu.sem_alloc : memref<!tpu.dma_semaphore, #tpu.memory_space<semaphore_mem>>
      %dma_start3A_65 = tpu.memref_slice %arg6[%mul3A_2] : memref<51200xf32, #tpu.memory_space<hbm>> -> memref<1600xf32, #tpu.memory_space<hbm>>
      %dma_start3A_66 = tpu.memref_slice %arg6[%mul3A_2] : memref<51200xf32, #tpu.memory_space<hbm>> -> memref<1600xf32, #tpu.memory_space<hbm>>
      tpu.enqueue_dma source(%arg11 : memref<1600xf32, #tpu.memory_space<vmem>>) target(%dma_start3A_66 : memref<1600xf32, #tpu.memory_space<hbm>>) target_semaphore(%run_scoped3A : memref<!tpu.dma_semaphore, #tpu.memory_space<semaphore_mem>>)
      %dma_wait3A_67 = tpu.memref_slice %arg6[%mul3A_2] : memref<51200xf32, #tpu.memory_space<hbm>> -> memref<1600xf32, #tpu.memory_space<hbm>>
      %dma_wait3A_68 = tpu.memref_slice %arg6[%mul3A_2] : memref<51200xf32, #tpu.memory_space<hbm>> -> memref<1600xf32, #tpu.memory_space<hbm>>
      tpu.wait_dma2 semaphore(%run_scoped3A : memref<!tpu.dma_semaphore, #tpu.memory_space<semaphore_mem>>) src(%arg11 : memref<1600xf32, #tpu.memory_space<vmem>>) dst(%dma_wait3A_68 : memref<1600xf32, #tpu.memory_space<hbm>>)
      tpu.yield
    }) : () -> ()
    "tpu.region"() ({
      %run_scoped3A = tpu.sem_alloc : memref<!tpu.dma_semaphore, #tpu.memory_space<semaphore_mem>>
      %dma_start3A_65 = tpu.memref_slice %arg7[%mul3A_2] : memref<51200xf32, #tpu.memory_space<hbm>> -> memref<1600xf32, #tpu.memory_space<hbm>>
      %dma_start3A_66 = tpu.memref_slice %arg7[%mul3A_2] : memref<51200xf32, #tpu.memory_space<hbm>> -> memref<1600xf32, #tpu.memory_space<hbm>>
      tpu.enqueue_dma source(%arg12 : memref<1600xf32, #tpu.memory_space<vmem>>) target(%dma_start3A_66 : memref<1600xf32, #tpu.memory_space<hbm>>) target_semaphore(%run_scoped3A : memref<!tpu.dma_semaphore, #tpu.memory_space<semaphore_mem>>)
      %dma_wait3A_67 = tpu.memref_slice %arg7[%mul3A_2] : memref<51200xf32, #tpu.memory_space<hbm>> -> memref<1600xf32, #tpu.memory_space<hbm>>
      %dma_wait3A_68 = tpu.memref_slice %arg7[%mul3A_2] : memref<51200xf32, #tpu.memory_space<hbm>> -> memref<1600xf32, #tpu.memory_space<hbm>>
      tpu.wait_dma2 semaphore(%run_scoped3A : memref<!tpu.dma_semaphore, #tpu.memory_space<semaphore_mem>>) src(%arg12 : memref<1600xf32, #tpu.memory_space<vmem>>) dst(%dma_wait3A_68 : memref<1600xf32, #tpu.memory_space<hbm>>)
      tpu.yield
    }) : () -> ()
    return
  }
}

</mosaic_0001>

<sc_bundles>
// kernel: _sc_call.3.cloned.1.call-start
scs
__scs_entry_jumppad:
0x0: {  	(pc) =	sbr.rel $0x88, $3  }
0x1: {  	(tag) =	ssettag $0x0;
	lr =	simm.s32 $0x1  }
0x2: {  	[smem:$0x3F9E] =	sst lr;
	_ =	strace $0xD0000000  }
0x3: {  	_ = 	snop  }
0x4: {  	_ = 	snop  }
0x5: {  	_ = 	snop  }
0x6: {  	_ = 	snop  }
0x7: {  	_ = 	snop  }
__scs_overlays_trampoline_lowered:
0x8: {  	[smem:$0x3FAD] =	sst s0  }
0x9: {  	[smem:$0x3FAE] =	sst s1  }
0xa: {  	[smem:$0x3FAF] =	sst s2  }
0xb: {  	[smem:$0x3FB0] =	sst s3  }
0xc: {  	[smem:$0x3FB1] =	sst s4  }
0xd: {  	[smem:$0x3FB2] =	sst s5  }
0xe: {  	[smem:$0x3FB3] =	sst s6  }
0xf: {  	[smem:$0x3FB4] =	sst s7  }
0x10: {  	[smem:$0x3FB5] =	sst s8  }
0x11: {  	[smem:$0x3FB6] =	sst s9;
	s0 =	simm.s32 @!p0 $0x0  }
0x12: {  	s1 =	sld [smem:$0x3F9C];
	s0 =	simm.s32 @p0 $0x1  }
0x13: {  	[smem:$0x3FB7] =	sst s0;
	s0 =	simm.s32 @!p1 $0x0  }
0x14: {  	s2 =	sld [smem:$0x3F9B];
	s0 =	simm.s32 @p1 $0x1  }
0x15: {  	[smem:$0x3FB8] =	sst s0;
	s0 =	simm.s32 @!p2 $0x0  }
0x16: {  	s3 =	sld [smem:$0x3FDB];
	s0 =	simm.s32 @p2 $0x1  }
0x17: {  	s4 =	simm.s32 $0x1BF5;
	[smem:$0x3FBA] =	sst s0  }
0x18: {  	s0 =	sld [smem:$0x3F9D];
	_ =	swait.ge [sflag:s4], $0x0  }
0x19: {  	s7 =	sld [smem:$0x3F9E]  }
0x1a: {  	s8 =	sadd.s32 $0xFFFFE003, lr  }
0x1b: {  	s9 =	sadd.s32 $0xFFFFFEF7, lr;
	s5 =	simm.s32 $0xFFFFFFFF;
	p2 =	slt.u32 s8, $0xFFFFF086  }
0x1c: {  	p1 =	slt.u32 s9, $0xF7A;
	s5 =	simm.s32 @!p2 $0x0  }
0x1d: {  	s5 =	simm.s32 @p1 $0x1;
	p0 =	seq.s32 s7, s2  }
0x1e: {  	s7 =	smul.u32 @!p0 $0xF7A, s2;
	p2 =	seq.s32 @!p0 s5, $0x0  }
0x1f: {  	s9 =	smul.u32 $0xF7A, s1;
	s8 =	simm.s32 @!p0 $0x1BF5;
	p2 =	por !p2, p0  }
0x20: {  	[sflag:s8] =	ssyncset.s32 @!p0 $0xFFFFF086;
	s6 =	sadd.s32 @!p0 s3, s7;
	s7 =	simm.s32 @!p0 $0x108  }
0x21: {  	s3 =	sadd.s32 s3, s9;
	s6 =	sadd.s32 @!p0 $0x88, s6;
	s7 =	simm.s32 @p2 $0x1082  }
0x22: {  	[simem:s7], [sflag:s8] =	dma.local @!p0 [hbm:s6], $0xF7A  }
0x23: {  	s9 =	sor.u32 $0xD0000000, s2;
	s6 =	simm.s32 $0x108;
	_ =	swait.ge @!p0 [sflag:s8], $0x0  }
0x24: {  	s3 =	sadd.s32 $0x88, s3;
	s6 =	simm.s32 @!p1 $0x1082;
	[sflag:s4] =	ssyncset.s32 $0xFFFFF086  }
0x25: {  	[simem:s6], [sflag:s4] =	dma.local [hbm:s3], $0xF7A  }
0x26: {  	[smem:$0x3F9E] =	sst s1;
	(tag) =	ssettag s2;
	_ =	strace s9  }
0x27: {  	s1 =	sld [smem:$0x3FAE]  }
0x28: {  	s2 =	sld [smem:$0x3FAF]  }
0x29: {  	s4 =	sld [smem:$0x3FB1]  }
0x2a: {  	p0 =	seq.s32 s5, $0x0;
	s5 =	sld [smem:$0x3FB2]  }
0x2b: {  	s6 =	sld [smem:$0x3FB3]  }
0x2c: {  	s7 =	sld [smem:$0x3FB4]  }
0x2d: {  	s3 =	simm.s32 $0x108;
	s8 =	sld [smem:$0x3FB5]  }
0x2e: {  	s3 =	simm.s32 @!p0 $0x1082;
	s9 =	sld [smem:$0x3FB6]  }
0x2f: {  	lr =	sadd.s32 s0, s3;
	s0 =	sld [smem:$0x3FAD]  }
0x30: {  	s3 =	sld [smem:$0x3FB0]  }
0x31: {  	[smem:$0x3FB9] =	sst s10  }
0x32: {  	s10 =	sld [smem:$0x3FB7];
	_ =	sdelay $0x3  }
0x33: {  	p0 =	seq.s32 s10, $0x1;
	s10 =	sld [smem:$0x3FB9];
	_ =	sdelay $0x3  }
0x34: {  	[smem:$0x3FB9] =	sst s10  }
0x35: {  	s10 =	sld [smem:$0x3FB8];
	_ =	sdelay $0x3  }
0x36: {  	p1 =	seq.s32 s10, $0x1;
	s10 =	sld [smem:$0x3FB9];
	_ =	sdelay $0x3  }
0x37: {  	[smem:$0x3FB9] =	sst s10  }
0x38: {  	s10 =	sld [smem:$0x3FBA]  }
0x39: {  	_ = 	snop;
	(pc) =	sbr.ind lr, $3  }
0x3a: {  	_ = 	snop  }
0x3b: {  	_ = 	snop  }
0x3c: {  	p2 =	seq.s32 s10, $0x1;
	s10 =	sld [smem:$0x3FB9]  }
0x3d: {  	_ =	shalt  }
0x3e: {  	_ =	shalt  }
0x3f: {  	_ =	shalt  }
0x40: {  	_ =	shalt  }
0x41: {  	_ =	shalt  }
0x42: {  	_ =	shalt  }
0x43: {  	_ =	shalt  }
0x44: {  	_ =	shalt  }
0x45: {  	_ =	shalt  }
0x46: {  	_ =	shalt  }
0x47: {  	_ =	shalt  }
0x48: {  	_ =	shalt  }
0x49: {  	_ =	shalt  }
0x4a: {  	_ =	shalt  }
0x4b: {  	_ =	shalt  }
0x4c: {  	_ =	shalt  }
0x4d: {  	_ =	shalt  }
0x4e: {  	_ =	shalt  }
0x4f: {  	_ =	shalt  }
0x50: {  	_ =	shalt  }
0x51: {  	_ =	shalt  }
0x52: {  	_ =	shalt  }
0x53: {  	_ =	shalt  }
0x54: {  	_ =	shalt  }
0x55: {  	_ =	shalt  }
0x56: {  	_ =	shalt  }
0x57: {  	_ =	shalt  }
0x58: {  	_ =	shalt  }
0x59: {  	_ =	shalt  }
0x5a: {  	_ =	shalt  }
0x5b: {  	_ =	shalt  }
0x5c: {  	_ =	shalt  }
0x5d: {  	_ =	shalt  }
0x5e: {  	_ =	shalt  }
0x5f: {  	_ =	shalt  }
0x60: {  	_ =	shalt  }
0x61: {  	_ =	shalt  }
0x62: {  	_ =	shalt  }
0x63: {  	_ =	shalt  }
0x64: {  	_ =	shalt  }
0x65: {  	_ =	shalt  }
0x66: {  	_ =	shalt  }
0x67: {  	_ =	shalt  }
0x68: {  	_ =	shalt  }
0x69: {  	_ =	shalt  }
0x6a: {  	_ =	shalt  }
0x6b: {  	_ =	shalt  }
0x6c: {  	_ =	shalt  }
0x6d: {  	_ =	shalt  }
0x6e: {  	_ =	shalt  }
0x6f: {  	_ =	shalt  }
0x70: {  	_ =	shalt  }
0x71: {  	_ =	shalt  }
0x72: {  	_ =	shalt  }
0x73: {  	_ =	shalt  }
0x74: {  	_ =	shalt  }
0x75: {  	_ =	shalt  }
0x76: {  	_ =	shalt  }
0x77: {  	_ =	shalt  }
0x78: {  	_ =	shalt  }
0x79: {  	_ =	shalt  }
0x7a: {  	_ =	shalt  }
0x7b: {  	_ =	shalt  }
0x7c: {  	_ =	shalt  }
0x7d: {  	_ =	shalt  }
0x7e: {  	_ =	shalt  }
0x7f: {  	_ =	shalt  }
0x80: {  	_ =	shalt  }
0x81: {  	_ =	shalt  }
0x82: {  	_ =	shalt  }
0x83: {  	_ =	shalt  }
0x84: {  	_ =	shalt  }
0x85: {  	_ =	shalt  }
0x86: {  	_ =	shalt  }
0x87: {  	_ =	shalt  }
.Lfunc_end0:
.L_simem_size_0:
called_computation.1_lowered:
.L_overlay_start_0:
0x88: {  	s2 =	sld [smem:$0x3FD9]  }
0x89: {  	s3 =	sld [smem:$0x3FFE];
	_ =	sdelay $0x1  }
0x8a: {  	s1 =	srdreg.scid  }
0x8b: {  	s0 =	sand.u32 $0x1, s1  }
0x8c: {  	s14 =	sshll.u32 s0, $0xA;
	s2 =	sadd.s32 s3, s2  }
0x8d: {  	s2 =	sadd.s32 s2, s14  }
0x8e: {  	[smem:$0x3FC5] =	sst s2  }
0x8f: {  	_ = 	snop  }
0x90: {  	s2 =	sld [smem:$0x3FD0];
	_ =	sdelay $0x1  }
0x91: {  	s15 =	sld [smem:$0x3FC8]  }
0x92: {  	s5 =	simm.s32 $0xA;
	s6 =	simm.s32 $0x10;
	s4 =	sld [smem:$0x3FC7]  }
0x93: {  	[smem:s6], [sflag:s5] =	dma.local [hbm:s2], $0x1  }
0x94: {  	_ =	swait.eq [sflag:s5], $0x1  }
0x95: {  	s16 =	sld [smem:$0x10];
	[sflag:s5] =	ssyncset.done $0x0  }
0x96: {  	s17 =	sld [smem:$0x11];
	[sflag:s5] =	ssyncadd.s32 $0xFFFFFFFF  }
0x97: {  	s18 =	sld [smem:$0x12];
	(tm) =	ssettm $0x1  }
0x98: {  	s7 =	sld [smem:$0x3FFB];
	_ =	sdelay $0x3  }
0x99: {  	_ =	strace s7  }
0x9a: {  	s7 =	sld [smem:$0x3FFC];
	_ =	sdelay $0x3  }
0x9b: {  	_ =	strace s7  }
0x9c: {  	s7 =	sld [smem:$0x3FFD];
	_ =	sdelay $0x3  }
0x9d: {  	_ =	strace s7  }
0x9e: {  	_ =	strace $0x8FFFFFFF  }
0x9f: {  	s19 =	sld [smem:$0x3FDB];
	_ =	sdelay $0x1  }
0xa0: {  	s8 =	simm.s32 $_scs_section_size  }
0xa1: {  	s9 =	simm.s32 $_size__tile_overlayer_lowered;
	s10 =	simm.s32 $_tile_overlayer_lowered  }
0xa2: {  	s22 =	simm.s32 $0x1BFF;
	s21 =	sshll.u32 s10, $0x1;
	s7 =	sadd.s32 s8, s19  }
0xa3: {  	s11 =	simm.s32 $0x0;
	s20 =	sshll.u32 s9, $0x1;
	s9 =	sadd.s32 s21, s7  }
0xa4: {  	[timem:s11], [sflag:s22] =	dma.local [hbm:s9], s20  }
0xa5: {  	_ =	swait.ge [sflag:s22], s20  }
0xa6: {  	s8 =	ssub.s32 $0x0, s20;
	[sflag:s22] =	ssyncset.done $0x0  }
0xa7: {  	[sflag:s22] =	ssyncadd.s32 s8;
	_ =	sdelay $0x1  }
0xa8: {  	s23 =	simm.s32 $0x1B8B  }
0xa9: {  	_ =	swait.ge [sflag:s23], $0x1  }
0xaa: {  	[sflag:s23] =	ssyncset.done $0x0  }
0xab: {  	s25 =	simm.s32 $0x1B8E;
	s24 =	sld [smem:$0x3FFE];
	[sflag:s23] =	ssyncadd.s32 $0xFFFFFFFF  }
0xac: {  	s26 =	simm.s32 $execute0_lowered;
	[smem:$0x3FD2] =	sst s25  }
0xad: {  	s9 =	sshll.u32 s26, $0x1;
	_ =	strace $0x80000046;
	[dreg:$0x1] =	wrdreg $0xFFFFFFFF  }
0xae: {  	s28 =	simm.s32 $_size_execute0_lowered;
	s7 =	sadd.s32 s7, s9;
	[dreg:$0x0] =	wrdreg $0x0  }
0xaf: {  	s9 =	sshll.u32 s28, $0x1;
	[dreg:$0x2] =	wrdreg s7  }
0xb0: {  	[dreg:$0x3] =	wrdreg s9  }
0xb1: {  	[dreg:$0x4] =	wrdreg $0xC0  }
0xb2: {  	_ =	task [dreg:s11], $0x5FFFF  }
0xb3: {  	[dreg:$0x1] =	wrdreg $0xFFFFFFFF  }
0xb4: {  	[dreg:$0x0] =	wrdreg $0x60  }
0xb5: {  	[dreg:$0x2] =	wrdreg s24  }
0xb6: {  	[dreg:$0x3] =	wrdreg s15  }
0xb7: {  	[dreg:$0x4] =	wrdreg s4  }
0xb8: {  	[dreg:$0x5] =	wrdreg s16  }
0xb9: {  	[dreg:$0x6] =	wrdreg s17  }
0xba: {  	[dreg:$0x7] =	wrdreg s18  }
0xbb: {  	[dreg:$0x8] =	wrdreg $0x9  }
0xbc: {  	_ =	task.clear_ibuf [dreg:s11], $0x9FFFF;
	_ =	strace $0x90000046  }
0xbd: {  	s29 =	simm.s32 $0x9;
	_ =	strace $0x80000048  }
0xbe: {  	_ =	swait.ge [sflag:s29], $0x1  }
0xbf: {  	[sflag:s29] =	ssyncadd.s32 $0xFFFFFFFF  }
0xc0: {  	_ =	strace $0x90000048  }
0xc1: {  	_ =	sfence  }
0xc2: {  	s30 =	sld [smem:$0x0];
	_ =	sdelay $0x2  }
0xc3: {  	s31 =	sshll.u32 s1, $0xD;
	s1 =	sshrl.u32 s1, $0x2  }
0xc4: {  	s3 =	sand.u32 $0x4000, s31;
	s1 =	sadd.s32 s1, s30  }
0xc5: {  	s0 =	sor.u32 s3, s0;
	s1 =	sshll.u32 s1, $0x11  }
0xc6: {  	s0 =	sor.u32 s1, s0  }
0xc7: {  	s0 =	sadd.s32 $0x8F2B, s0  }
0xc8: {  	[sflag:s0] =	ssyncadd.remote.s32 $0x1  }
0xc9: {  	_ =	sfence.sel $0xFFFF  }
0xca: {  	[dreg:$0x0] =	wrdreg $0xFFFFFFFF;
	(pc) =	sbr.abs _section_cstart, $3  }
0xcb: {  	[dreg:$0x1] =	wrdreg $0xFFFFFFFF  }
0xcc: {  	_ =	task.clear_ibuf [dreg:s11], $0x2FFFF;
	_ =	strace $0x9FFFFFFF  }
0xcd: {  	(tm) =	ssettm $0x7FFFFFFF  }
tec
execute0_lowered:
.L_overlay_start_1:
0x0: {  	(tag) =	ssettag $0x1  }
0x1: {  	s0 =	rddreg [dreg:$0x0]  }
0x2: {  	s1 =	rddreg [dreg:$0x1]  }
0x3: {  	s4 =	rddreg [dreg:$0x2]  }
0x4: {  	s5 =	rddreg [dreg:$0x3]  }
0x5: {  	s6 =	rddreg [dreg:$0x4]  }
0x6: {  	s2 =	srdreg.scid;
	s11 =	stileid.u32  }
0x7: {  	s7 =	rddreg [dreg:$0x5];
	s12 =	simm.s32 $0x10;
	s13 =	simm.s32 $0xC80  }
0x8: {  	s14 =	simm.s32 $0x4C80;
	s15 =	simm.s32 $0x1;
	s17 =	simm.s32 $0x5  }
0x9: {  	s18 =	simm.s32 $0x4;
	s28 =	simm.s32 $0xE880;
	s29 =	simm.s32 $0xEC80  }
0xa: {  	s30 =	simm.s32 $0xF080;
	s31 =	simm.s32 $0xF480;
	s16 =	simm.s32 $0x0  }
0xb: {  	s8 =	sand.u32 $0x1, s2;
	s3 =	sshll.u32 s11, $0x1;
	s2 =	simm.s32 $0x0  }
0xc: {  	s11 =	smul.u32 $0x61A80, s11;
	s3 =	sor.u32 s8, s3;
	[smem:$0x7FF] =	sst s2  }
0xd: {  	s21 =	ssub.s32 $0x2, s8;
	s22 =	smul.u32 $0x30D40, s8;
	s8 =	simm.s32 $0x6  }
0xe: {  	s9 =	smul.u32 $0x640, s3;
	_ =	strace $0x80000047;
	s3 =	sadd.s32 $0xC00, s0  }
0xf: {  	s10 =	sshrl.u32 s21, $0x1;
	s24 =	sadd.s32 s11, s5;
	s11 =	simm.s32 $0xF880  }
0x10: {  	s5 =	simm.s32 $0x10080;
	s0 =	ssub.s32 s21, s10;
	s26 =	sadd.s32 s22, s24  }
0x11: {  	s10 =	simm.s32 $0x9;
	s24 =	simm.s32 $0x3;
	s22 =	simm.s32 $0xDC80  }
0x12: {  	s9 =	sshrl.u32 s9, $0x3;
	s0 =	smax.u32 s0, $0x1;
	[dreg:$0xc] =	wrdreg s26  }
0x13: {  	s26 =	simm.s32 $0xE480;
	s1 =	sadd.s32 s1, s9;
	[dreg:$0xb] =	wrdreg s0  }
.Ltmp0:
0x14: {  	s4 =	sadd.s32 s4, s9;
	[dreg:$0x7] =	wrdreg s1;
	(pc) =	sbr.rel .LBB2_1-.Ltmp0, $4  }
0x15: {  	v0 =	vlaneseq.u32;
	s23 =	sadd.s32 s6, s9;
	s25 =	sadd.s32 s7, s9;
	[dreg:$0x8] =	wrdreg s4  }
0x16: {  	v0 =	vmul.u32 $0x400, v0;
	s0 =	simm.s32 $0x2;
	s6 =	simm.s32 $0x10480;
	[dreg:$0x9] =	wrdreg s23  }
0x17: {  	s7 =	simm.s32 $0x10880;
	[dreg:$0xa] =	wrdreg s25;
	s1 =	simm.s32 $0x8C80  }
0x18: {  	v1 =	vor.u32 $0x3E8, v0;
	s23 =	simm.s32 $0xCC80;
	s25 =	simm.s32 $0xE080;
	s4 =	simm.s32 $0xFC80  }
.LBB2_4:
0x19: {  	s9 =	simm.s32 $0x7  }
0x1a: {  	_ =	swait.ge [sflag:s9], $0x3E80  }
0x1b: {  	[sflag:s9] =	ssyncset.done $0x0  }
0x1c: {  	s10 =	simm.s32 $0x8;
	[sflag:s9] =	ssyncadd.s32 $0xFFFFC180  }
0x1d: {  	_ =	swait.ge [sflag:s10], $0x3E80  }
0x1e: {  	[sflag:s10] =	ssyncset.done $0x0  }
0x1f: {  	s16 =	rddreg [dreg:$0x9];
	[sflag:s10] =	ssyncadd.s32 $0xFFFFC180;
	s10 =	simm.s32 $0x10C80  }
0x20: {  	[hbm4b:s16+s2] =	stream.linear.scatter [tilespmem:s10], [sflag:$0x9], $0x640, $0x38;
	[tilespmem:$0x11900] =	vst v63  }
0x21: {  	s10 =	simm.s32 $0x9  }
0x22: {  	_ =	swait.ge [sflag:s10], $0x640  }
0x23: {  	[sflag:s10] =	ssyncset.done $0x0  }
0x24: {  	s16 =	simm.s32 $0x112C0;
	s19 =	rddreg [dreg:$0xa];
	[sflag:s10] =	ssyncadd.s32 $0xFFFFF9C0  }
0x25: {  	[hbm4b:s19+s2] =	stream.linear.scatter [tilespmem:s16], [sflag:$0x9], $0x640, $0x38;
	[tilespmem:$0x11900] =	vst v63  }
0x26: {  	_ =	swait.ge [sflag:s10], $0x640  }
0x27: {  	s20 =	rddreg [dreg:$0xd]  }
0x28: {  	s21 =	rddreg [dreg:$0xb];
	s16 =	sadd.s32 $0x1, s20  }
0x29: {  	p0 =	sne.s32 s16, s21  }
.Ltmp1:
0x2a: {  	_ = 	snop;
	(pc) =	sbr.rel @!p0 .LBB2_5-.Ltmp1, $3  }
0x2b: {  	_ =	sdelay $0x1  }
0x2c: {  	[sflag:s10] =	ssyncset.done $0x0  }
0x2d: {  	[sflag:s10] =	ssyncadd.s32 $0xFFFFF9C0  }
.LBB2_1:
0x2e: {  	[dreg:$0xd] =	wrdreg s16  }
0x2f: {  	s9 =	rddreg [dreg:$0x7]  }
0x30: {  	[tilespmem:s2], [sflag:$0x9] =	stream.linear.gather [hbm4b:s9+s2], $0x640, $0x38;
	[tilespmem:$0x11900] =	vst v63  }
0x31: {  	_ =	swait.ge [sflag:s10], $0x640  }
0x32: {  	[sflag:s10] =	ssyncset.done $0x0  }
0x33: {  	s21 =	simm.s32 $0x640;
	s20 =	rddreg [dreg:$0x8];
	[sflag:s10] =	ssyncadd.s32 $0xFFFFF9C0  }
0x34: {  	[tilespmem:s21], [sflag:$0x9] =	stream.linear.gather [hbm4b:s20+s2], $0x640, $0x38;
	[tilespmem:$0x11900] =	vst v63  }
0x35: {  	_ =	swait.ge [sflag:s10], $0x640  }
0x36: {  	[sflag:s10] =	ssyncset.done $0x0  }
0x37: {  	[sflag:s10] =	ssyncadd.s32 $0xFFFFF9C0  }
0x38: {  	[tilespmem:s13], [sflag:$0x1] =	stream.indirect.gather [hbm4b:s3+s12], $0x400, s2, s12, $0xb8;
	[tilespmem:$0x11900] =	vst v63  }
0x39: {  	s9 =	rddreg [dreg:$0xc];
	s10 =	simm.s32 $0x0  }
0x3a: {  	[tilespmem:s14], [sflag:$0x2] =	stream.indirect.gather [hbm4b:s3+s12], $0x400, s12, s12, $0xb8;
	[tilespmem:$0x11900] =	vst v63  }
.LBB2_2:
0x3b: {  	_ =	swait.ge [sflag:s15], $0x4000  }
0x3c: {  	[sflag:s15] =	ssyncset.done $0x0  }
0x3d: {  	s16 =	sshra.s32 s10, $0x2;
	[sflag:s15] =	ssyncadd.s32 $0xFFFFC000  }
0x3e: {  	v2 =	vld [tilespmem:s16+$0x640];
	_ =	sdelay $0x4  }
0x3f: {  	v2 =	vadd.s32 v0, v2;
	_ =	sdelay $0x4  }
0x40: {  	v2 =	vld.idx.msk [tilespmem:v2+s13+$0x0], $0xffff;
	_ =	sdelay $0x4  }
0x41: {  	[tilespmem:s16+$0x112C0] =	vst v2  }
0x42: {  	v2 =	vld.idx.msk [tilespmem:v1+s13+$0x0], $0xffff;
	_ =	sdelay $0x4  }
0x43: {  	[tilespmem:s16+$0x10C80] =	vst v2  }
0x44: {  	[hbm4b:s9+s2] =	stream.linear.scatter [tilespmem:s13], [sflag:$0x5], $0x3E8, $0x38;
	[tilespmem:$0x11900] =	vst v63  }
0x45: {  	s19 =	sadd.s32 $0x7D, s9;
	s20 =	simm.s32 $0x1080  }
0x46: {  	[hbm4b:s19+s2] =	stream.linear.scatter [tilespmem:s20], [sflag:$0x5], $0x3E8, $0x38;
	[tilespmem:$0x11900] =	vst v63  }
0x47: {  	s21 =	simm.s32 $0x1480;
	s20 =	sadd.s32 $0xFA, s9  }
0x48: {  	[hbm4b:s20+s2] =	stream.linear.scatter [tilespmem:s21], [sflag:$0x5], $0x3E8, $0x38;
	[tilespmem:$0x11900] =	vst v63  }
0x49: {  	s20 =	sadd.s32 $0x177, s9;
	s21 =	simm.s32 $0x1880  }
0x4a: {  	[hbm4b:s20+s2] =	stream.linear.scatter [tilespmem:s21], [sflag:$0x5], $0x3E8, $0x38;
	[tilespmem:$0x11900] =	vst v63  }
0x4b: {  	s20 =	sadd.s32 $0x1F4, s9;
	s21 =	simm.s32 $0x1C80  }
0x4c: {  	[hbm4b:s20+s2] =	stream.linear.scatter [tilespmem:s21], [sflag:$0x5], $0x3E8, $0x38;
	[tilespmem:$0x11900] =	vst v63  }
0x4d: {  	s20 =	sadd.s32 $0x271, s9;
	s21 =	simm.s32 $0x2080  }
0x4e: {  	[hbm4b:s20+s2] =	stream.linear.scatter [tilespmem:s21], [sflag:$0x5], $0x3E8, $0x38;
	[tilespmem:$0x11900] =	vst v63  }
0x4f: {  	s20 =	sadd.s32 $0x2EE, s9;
	s21 =	simm.s32 $0x2480  }
0x50: {  	[hbm4b:s20+s2] =	stream.linear.scatter [tilespmem:s21], [sflag:$0x5], $0x3E8, $0x38;
	[tilespmem:$0x11900] =	vst v63  }
0x51: {  	s20 =	sadd.s32 $0x36B, s9;
	s21 =	simm.s32 $0x2880  }
0x52: {  	[hbm4b:s20+s2] =	stream.linear.scatter [tilespmem:s21], [sflag:$0x5], $0x3E8, $0x38;
	[tilespmem:$0x11900] =	vst v63  }
0x53: {  	s20 =	sadd.s32 $0x3E8, s9;
	s21 =	simm.s32 $0x2C80  }
0x54: {  	[hbm4b:s20+s2] =	stream.linear.scatter [tilespmem:s21], [sflag:$0x5], $0x3E8, $0x38;
	[tilespmem:$0x11900] =	vst v63  }
0x55: {  	s20 =	sadd.s32 $0x465, s9;
	s21 =	simm.s32 $0x3080  }
0x56: {  	[hbm4b:s20+s2] =	stream.linear.scatter [tilespmem:s21], [sflag:$0x5], $0x3E8, $0x38;
	[tilespmem:$0x11900] =	vst v63  }
0x57: {  	s20 =	sadd.s32 $0x4E2, s9;
	s21 =	simm.s32 $0x3480  }
0x58: {  	[hbm4b:s20+s2] =	stream.linear.scatter [tilespmem:s21], [sflag:$0x5], $0x3E8, $0x38;
	[tilespmem:$0x11900] =	vst v63  }
0x59: {  	s20 =	sadd.s32 $0x55F, s9;
	s21 =	simm.s32 $0x3880  }
0x5a: {  	[hbm4b:s20+s2] =	stream.linear.scatter [tilespmem:s21], [sflag:$0x5], $0x3E8, $0x38;
	[tilespmem:$0x11900] =	vst v63  }
0x5b: {  	s20 =	sadd.s32 $0x5DC, s9;
	s21 =	simm.s32 $0x3C80  }
0x5c: {  	[hbm4b:s20+s2] =	stream.linear.scatter [tilespmem:s21], [sflag:$0x5], $0x3E8, $0x38;
	[tilespmem:$0x11900] =	vst v63  }
0x5d: {  	s20 =	sadd.s32 $0x659, s9;
	s21 =	simm.s32 $0x4080  }
0x5e: {  	[hbm4b:s20+s2] =	stream.linear.scatter [tilespmem:s21], [sflag:$0x5], $0x3E8, $0x38;
	[tilespmem:$0x11900] =	vst v63  }
0x5f: {  	p0 =	seq.s32 s10, $0x0;
	s20 =	sadd.s32 $0x6D6, s9;
	s21 =	simm.s32 $0x4480  }
0x60: {  	[hbm4b:s20+s2] =	stream.linear.scatter [tilespmem:s21], [sflag:$0x5], $0x3E8, $0x38;
	[tilespmem:$0x11900] =	vst v63  }
0x61: {  	s19 =	simm.s32 @!p0 $0x7;
	s20 =	sadd.s32 $0x753, s9;
	s21 =	simm.s32 $0x4880  }
0x62: {  	[hbm4b:s20+s2] =	stream.linear.scatter [tilespmem:s21], [sflag:$0x5], $0x3E8, $0x38;
	[tilespmem:$0x11900] =	vst v63  }
0x63: {  	_ =	swait.ge @!p0 [sflag:s19], $0x3E80  }
0x64: {  	[sflag:s19] =	ssyncset.done @!p0 $0x0  }
0x65: {  	s20 =	sadd.s32 $0x20, s16;
	[sflag:s19] =	ssyncadd.s32 @!p0 $0xFFFFC180  }
0x66: {  	[tilespmem:s1], [sflag:$0x3] =	stream.indirect.gather [hbm4b:s3+s12], $0x400, s20, s12, $0xb8;
	[tilespmem:$0x11900] =	vst v63  }
0x67: {  	_ =	swait.ge [sflag:s0], $0x4000  }
0x68: {  	[sflag:s0] =	ssyncset.done $0x0  }
0x69: {  	[sflag:s0] =	ssyncadd.s32 $0xFFFFC000  }
0x6a: {  	v2 =	vld [tilespmem:s16+$0x650];
	_ =	sdelay $0x4  }
0x6b: {  	v2 =	vadd.s32 v0, v2;
	_ =	sdelay $0x4  }
0x6c: {  	v2 =	vld.idx.msk [tilespmem:v2+s14+$0x0], $0xffff;
	_ =	sdelay $0x4  }
0x6d: {  	[tilespmem:s16+$0x112D0] =	vst v2  }
0x6e: {  	v2 =	vld.idx.msk [tilespmem:v1+s14+$0x0], $0xffff;
	_ =	sdelay $0x4  }
0x6f: {  	s21 =	sadd.s32 $0x7D0, s9;
	[tilespmem:s16+$0x10C90] =	vst v2  }
0x70: {  	[hbm4b:s21+s2] =	stream.linear.scatter [tilespmem:s14], [sflag:$0x6], $0x3E8, $0x38;
	[tilespmem:$0x11900] =	vst v63  }
0x71: {  	s20 =	sadd.s32 $0x84D, s9;
	s21 =	simm.s32 $0x5080  }
0x72: {  	[hbm4b:s20+s2] =	stream.linear.scatter [tilespmem:s21], [sflag:$0x6], $0x3E8, $0x38;
	[tilespmem:$0x11900] =	vst v63  }
0x73: {  	s20 =	sadd.s32 $0x8CA, s9;
	s21 =	simm.s32 $0x5480  }
0x74: {  	[hbm4b:s20+s2] =	stream.linear.scatter [tilespmem:s21], [sflag:$0x6], $0x3E8, $0x38;
	[tilespmem:$0x11900] =	vst v63  }
0x75: {  	s20 =	sadd.s32 $0x947, s9;
	s21 =	simm.s32 $0x5880  }
0x76: {  	[hbm4b:s20+s2] =	stream.linear.scatter [tilespmem:s21], [sflag:$0x6], $0x3E8, $0x38;
	[tilespmem:$0x11900] =	vst v63  }
0x77: {  	s20 =	sadd.s32 $0x9C4, s9;
	s21 =	simm.s32 $0x5C80  }
0x78: {  	[hbm4b:s20+s2] =	stream.linear.scatter [tilespmem:s21], [sflag:$0x6], $0x3E8, $0x38;
	[tilespmem:$0x11900] =	vst v63  }
0x79: {  	s20 =	sadd.s32 $0xA41, s9;
	s21 =	simm.s32 $0x6080  }
0x7a: {  	[hbm4b:s20+s2] =	stream.linear.scatter [tilespmem:s21], [sflag:$0x6], $0x3E8, $0x38;
	[tilespmem:$0x11900] =	vst v63  }
0x7b: {  	s20 =	sadd.s32 $0xABE, s9;
	s21 =	simm.s32 $0x6480  }
0x7c: {  	[hbm4b:s20+s2] =	stream.linear.scatter [tilespmem:s21], [sflag:$0x6], $0x3E8, $0x38;
	[tilespmem:$0x11900] =	vst v63  }
0x7d: {  	s20 =	sadd.s32 $0xB3B, s9;
	s21 =	simm.s32 $0x6880  }
0x7e: {  	[hbm4b:s20+s2] =	stream.linear.scatter [tilespmem:s21], [sflag:$0x6], $0x3E8, $0x38;
	[tilespmem:$0x11900] =	vst v63  }
0x7f: {  	s20 =	sadd.s32 $0xBB8, s9;
	s21 =	simm.s32 $0x6C80  }
0x80: {  	[hbm4b:s20+s2] =	stream.linear.scatter [tilespmem:s21], [sflag:$0x6], $0x3E8, $0x38;
	[tilespmem:$0x11900] =	vst v63  }
0x81: {  	s20 =	sadd.s32 $0xC35, s9;
	s21 =	simm.s32 $0x7080  }
0x82: {  	[hbm4b:s20+s2] =	stream.linear.scatter [tilespmem:s21], [sflag:$0x6], $0x3E8, $0x38;
	[tilespmem:$0x11900] =	vst v63  }
0x83: {  	s20 =	sadd.s32 $0xCB2, s9;
	s21 =	simm.s32 $0x7480  }
0x84: {  	[hbm4b:s20+s2] =	stream.linear.scatter [tilespmem:s21], [sflag:$0x6], $0x3E8, $0x38;
	[tilespmem:$0x11900] =	vst v63  }
0x85: {  	s20 =	sadd.s32 $0xD2F, s9;
	s21 =	simm.s32 $0x7880  }
0x86: {  	[hbm4b:s20+s2] =	stream.linear.scatter [tilespmem:s21], [sflag:$0x6], $0x3E8, $0x38;
	[tilespmem:$0x11900] =	vst v63  }
0x87: {  	s20 =	sadd.s32 $0xDAC, s9;
	s21 =	simm.s32 $0x7C80  }
0x88: {  	[hbm4b:s20+s2] =	stream.linear.scatter [tilespmem:s21], [sflag:$0x6], $0x3E8, $0x38;
	[tilespmem:$0x11900] =	vst v63  }
0x89: {  	s20 =	sadd.s32 $0xE29, s9;
	s21 =	simm.s32 $0x8080  }
0x8a: {  	[hbm4b:s20+s2] =	stream.linear.scatter [tilespmem:s21], [sflag:$0x6], $0x3E8, $0x38;
	[tilespmem:$0x11900] =	vst v63  }
0x8b: {  	s20 =	sadd.s32 $0xEA6, s9;
	s21 =	simm.s32 $0x8480  }
0x8c: {  	[hbm4b:s20+s2] =	stream.linear.scatter [tilespmem:s21], [sflag:$0x6], $0x3E8, $0x38;
	[tilespmem:$0x11900] =	vst v63  }
0x8d: {  	s19 =	simm.s32 @!p0 $0x8;
	s20 =	sadd.s32 $0xF23, s9;
	s21 =	simm.s32 $0x8880  }
0x8e: {  	[hbm4b:s20+s2] =	stream.linear.scatter [tilespmem:s21], [sflag:$0x6], $0x3E8, $0x38;
	[tilespmem:$0x11900] =	vst v63  }
0x8f: {  	_ =	swait.ge @!p0 [sflag:s19], $0x3E80  }
0x90: {  	[sflag:s19] =	ssyncset.done @!p0 $0x0  }
0x91: {  	s20 =	sadd.s32 $0x30, s16;
	[sflag:s19] =	ssyncadd.s32 @!p0 $0xFFFFC180  }
0x92: {  	[tilespmem:s23], [sflag:$0x4] =	stream.indirect.gather [hbm4b:s3+s12], $0x400, s20, s12, $0xb8;
	[tilespmem:$0x11900] =	vst v63  }
0x93: {  	_ =	swait.ge [sflag:s24], $0x4000  }
0x94: {  	[sflag:s24] =	ssyncset.done $0x0  }
0x95: {  	[sflag:s24] =	ssyncadd.s32 $0xFFFFC000  }
0x96: {  	v2 =	vld [tilespmem:s16+$0x660];
	_ =	sdelay $0x4  }
0x97: {  	v2 =	vadd.s32 v0, v2;
	_ =	sdelay $0x4  }
0x98: {  	v2 =	vld.idx.msk [tilespmem:v2+s1+$0x0], $0xffff;
	_ =	sdelay $0x4  }
0x99: {  	[tilespmem:s16+$0x112E0] =	vst v2  }
0x9a: {  	v2 =	vld.idx.msk [tilespmem:v1+s1+$0x0], $0xffff;
	_ =	sdelay $0x4  }
0x9b: {  	s21 =	sadd.s32 $0xFA0, s9;
	[tilespmem:s16+$0x10CA0] =	vst v2  }
0x9c: {  	[hbm4b:s21+s2] =	stream.linear.scatter [tilespmem:s1], [sflag:$0x7], $0x3E8, $0x38;
	[tilespmem:$0x11900] =	vst v63  }
0x9d: {  	s20 =	sadd.s32 $0x101D, s9;
	s21 =	simm.s32 $0x9080  }
0x9e: {  	[hbm4b:s20+s2] =	stream.linear.scatter [tilespmem:s21], [sflag:$0x7], $0x3E8, $0x38;
	[tilespmem:$0x11900] =	vst v63  }
0x9f: {  	s20 =	sadd.s32 $0x109A, s9;
	s21 =	simm.s32 $0x9480  }
0xa0: {  	[hbm4b:s20+s2] =	stream.linear.scatter [tilespmem:s21], [sflag:$0x7], $0x3E8, $0x38;
	[tilespmem:$0x11900] =	vst v63  }
0xa1: {  	s20 =	sadd.s32 $0x1117, s9;
	s21 =	simm.s32 $0x9880  }
0xa2: {  	[hbm4b:s20+s2] =	stream.linear.scatter [tilespmem:s21], [sflag:$0x7], $0x3E8, $0x38;
	[tilespmem:$0x11900] =	vst v63  }
0xa3: {  	s20 =	sadd.s32 $0x1194, s9;
	s21 =	simm.s32 $0x9C80  }
0xa4: {  	[hbm4b:s20+s2] =	stream.linear.scatter [tilespmem:s21], [sflag:$0x7], $0x3E8, $0x38;
	[tilespmem:$0x11900] =	vst v63  }
0xa5: {  	s20 =	sadd.s32 $0x1211, s9;
	s21 =	simm.s32 $0xA080  }
0xa6: {  	[hbm4b:s20+s2] =	stream.linear.scatter [tilespmem:s21], [sflag:$0x7], $0x3E8, $0x38;
	[tilespmem:$0x11900] =	vst v63  }
0xa7: {  	s20 =	sadd.s32 $0x128E, s9;
	s21 =	simm.s32 $0xA480  }
0xa8: {  	[hbm4b:s20+s2] =	stream.linear.scatter [tilespmem:s21], [sflag:$0x7], $0x3E8, $0x38;
	[tilespmem:$0x11900] =	vst v63  }
0xa9: {  	s20 =	sadd.s32 $0x130B, s9;
	s21 =	simm.s32 $0xA880  }
0xaa: {  	[hbm4b:s20+s2] =	stream.linear.scatter [tilespmem:s21], [sflag:$0x7], $0x3E8, $0x38;
	[tilespmem:$0x11900] =	vst v63  }
0xab: {  	s20 =	sadd.s32 $0x1388, s9;
	s21 =	simm.s32 $0xAC80  }
0xac: {  	[hbm4b:s20+s2] =	stream.linear.scatter [tilespmem:s21], [sflag:$0x7], $0x3E8, $0x38;
	[tilespmem:$0x11900] =	vst v63  }
0xad: {  	s20 =	sadd.s32 $0x1405, s9;
	s21 =	simm.s32 $0xB080  }
0xae: {  	[hbm4b:s20+s2] =	stream.linear.scatter [tilespmem:s21], [sflag:$0x7], $0x3E8, $0x38;
	[tilespmem:$0x11900] =	vst v63  }
0xaf: {  	s20 =	sadd.s32 $0x1482, s9;
	s21 =	simm.s32 $0xB480  }
0xb0: {  	[hbm4b:s20+s2] =	stream.linear.scatter [tilespmem:s21], [sflag:$0x7], $0x3E8, $0x38;
	[tilespmem:$0x11900] =	vst v63  }
0xb1: {  	s20 =	sadd.s32 $0x14FF, s9;
	s21 =	simm.s32 $0xB880  }
0xb2: {  	[hbm4b:s20+s2] =	stream.linear.scatter [tilespmem:s21], [sflag:$0x7], $0x3E8, $0x38;
	[tilespmem:$0x11900] =	vst v63  }
0xb3: {  	s20 =	sadd.s32 $0x157C, s9;
	s21 =	simm.s32 $0xBC80  }
0xb4: {  	[hbm4b:s20+s2] =	stream.linear.scatter [tilespmem:s21], [sflag:$0x7], $0x3E8, $0x38;
	[tilespmem:$0x11900] =	vst v63  }
0xb5: {  	s20 =	sadd.s32 $0x15F9, s9;
	s21 =	simm.s32 $0xC080  }
0xb6: {  	[hbm4b:s20+s2] =	stream.linear.scatter [tilespmem:s21], [sflag:$0x7], $0x3E8, $0x38;
	[tilespmem:$0x11900] =	vst v63  }
0xb7: {  	s20 =	sadd.s32 $0x1676, s9;
	s21 =	simm.s32 $0xC480  }
0xb8: {  	[hbm4b:s20+s2] =	stream.linear.scatter [tilespmem:s21], [sflag:$0x7], $0x3E8, $0x38;
	[tilespmem:$0x11900] =	vst v63  }
0xb9: {  	p0 =	seq.s32 s10, $0x1800;
	s20 =	sadd.s32 $0x16F3, s9;
	s21 =	simm.s32 $0xC880  }
0xba: {  	[hbm4b:s20+s2] =	stream.linear.scatter [tilespmem:s21], [sflag:$0x7], $0x3E8, $0x38;
	[tilespmem:$0x11900] =	vst v63  }
0xbb: {  	s19 =	sshra.s32 @!p0 s10, $0x2;
	_ =	swait.ge [sflag:s17], $0x3E80  }
0xbc: {  	s19 =	sadd.s32 @!p0 $0x40, s19;
	[sflag:s17] =	ssyncset.done $0x0  }
0xbd: {  	s20 =	simm.s32 @!p0 $0x10;
	s21 =	simm.s32 @!p0 $0xC80;
	[sflag:s17] =	ssyncadd.s32 $0xFFFFC180  }
0xbe: {  	[tilespmem:s21], [sflag:$0x1] =	stream.indirect.gather @!p0 [hbm4b:s3+s20], $0x400, s19, s20, $0xb8;
	[tilespmem:$0x11900] =	vst v63  }
0xbf: {  	_ =	swait.ge [sflag:s18], $0x4000  }
0xc0: {  	[sflag:s18] =	ssyncset.done $0x0  }
0xc1: {  	[sflag:s18] =	ssyncadd.s32 $0xFFFFC000  }
0xc2: {  	v2 =	vld [tilespmem:s16+$0x670];
	_ =	sdelay $0x4  }
0xc3: {  	v2 =	vadd.s32 v0, v2;
	_ =	sdelay $0x4  }
0xc4: {  	v2 =	vld.idx.msk [tilespmem:v2+s23+$0x0], $0xffff;
	_ =	sdelay $0x4  }
0xc5: {  	[tilespmem:s16+$0x112F0] =	vst v2  }
0xc6: {  	v2 =	vld.idx.msk [tilespmem:v1+s23+$0x0], $0xffff;
	_ =	sdelay $0x4  }
0xc7: {  	s21 =	sadd.s32 $0x1770, s9;
	[tilespmem:s16+$0x10CB0] =	vst v2  }
0xc8: {  	[hbm4b:s21+s2] =	stream.linear.scatter [tilespmem:s23], [sflag:$0x8], $0x3E8, $0x38;
	[tilespmem:$0x11900] =	vst v63  }
0xc9: {  	s20 =	sadd.s32 $0x17ED, s9;
	s21 =	simm.s32 $0xD080  }
0xca: {  	[hbm4b:s20+s2] =	stream.linear.scatter [tilespmem:s21], [sflag:$0x8], $0x3E8, $0x38;
	[tilespmem:$0x11900] =	vst v63  }
0xcb: {  	s20 =	sadd.s32 $0x186A, s9;
	s21 =	simm.s32 $0xD480  }
0xcc: {  	[hbm4b:s20+s2] =	stream.linear.scatter [tilespmem:s21], [sflag:$0x8], $0x3E8, $0x38;
	[tilespmem:$0x11900] =	vst v63  }
0xcd: {  	s20 =	sadd.s32 $0x18E7, s9;
	s21 =	simm.s32 $0xD880  }
0xce: {  	[hbm4b:s20+s2] =	stream.linear.scatter [tilespmem:s21], [sflag:$0x8], $0x3E8, $0x38;
	[tilespmem:$0x11900] =	vst v63  }
0xcf: {  	s20 =	sadd.s32 $0x1964, s9  }
0xd0: {  	[hbm4b:s20+s2] =	stream.linear.scatter [tilespmem:s22], [sflag:$0x8], $0x3E8, $0x38;
	[tilespmem:$0x11900] =	vst v63  }
0xd1: {  	s21 =	sadd.s32 $0x19E1, s9  }
0xd2: {  	[hbm4b:s21+s2] =	stream.linear.scatter [tilespmem:s25], [sflag:$0x8], $0x3E8, $0x38;
	[tilespmem:$0x11900] =	vst v63  }
0xd3: {  	s20 =	sadd.s32 $0x1A5E, s9  }
0xd4: {  	[hbm4b:s20+s2] =	stream.linear.scatter [tilespmem:s26], [sflag:$0x8], $0x3E8, $0x38;
	[tilespmem:$0x11900] =	vst v63  }
0xd5: {  	s21 =	sadd.s32 $0x1ADB, s9  }
0xd6: {  	[hbm4b:s21+s2] =	stream.linear.scatter [tilespmem:s28], [sflag:$0x8], $0x3E8, $0x38;
	[tilespmem:$0x11900] =	vst v63  }
0xd7: {  	s20 =	sadd.s32 $0x1B58, s9  }
0xd8: {  	[hbm4b:s20+s2] =	stream.linear.scatter [tilespmem:s29], [sflag:$0x8], $0x3E8, $0x38;
	[tilespmem:$0x11900] =	vst v63  }
0xd9: {  	s21 =	sadd.s32 $0x1BD5, s9  }
0xda: {  	[hbm4b:s21+s2] =	stream.linear.scatter [tilespmem:s30], [sflag:$0x8], $0x3E8, $0x38;
	[tilespmem:$0x11900] =	vst v63  }
0xdb: {  	s20 =	sadd.s32 $0x1C52, s9  }
0xdc: {  	[hbm4b:s20+s2] =	stream.linear.scatter [tilespmem:s31], [sflag:$0x8], $0x3E8, $0x38;
	[tilespmem:$0x11900] =	vst v63  }
0xdd: {  	s21 =	sadd.s32 $0x1CCF, s9  }
0xde: {  	[hbm4b:s21+s2] =	stream.linear.scatter [tilespmem:s11], [sflag:$0x8], $0x3E8, $0x38;
	[tilespmem:$0x11900] =	vst v63  }
0xdf: {  	s20 =	sadd.s32 $0x1D4C, s9  }
0xe0: {  	[hbm4b:s20+s2] =	stream.linear.scatter [tilespmem:s4], [sflag:$0x8], $0x3E8, $0x38;
	[tilespmem:$0x11900] =	vst v63  }
0xe1: {  	s21 =	sadd.s32 $0x1DC9, s9  }
0xe2: {  	[hbm4b:s21+s2] =	stream.linear.scatter [tilespmem:s5], [sflag:$0x8], $0x3E8, $0x38;
	[tilespmem:$0x11900] =	vst v63  }
0xe3: {  	s20 =	sadd.s32 $0x1E46, s9  }
0xe4: {  	[hbm4b:s20+s2] =	stream.linear.scatter [tilespmem:s6], [sflag:$0x8], $0x3E8, $0x38;
	[tilespmem:$0x11900] =	vst v63  }
.Ltmp2:
0xe5: {  	s21 =	sadd.s32 $0x1EC3, s9;
	(pc) =	sbr.rel @p0 .LBB2_4-.Ltmp2, $4  }
0xe6: {  	[hbm4b:s21+s2] =	stream.linear.scatter [tilespmem:s7], [sflag:$0x8], $0x3E8, $0x38;
	[tilespmem:$0x11900] =	vst v63  }
0xe7: {  	_ =	swait.ge [sflag:s8], $0x3E80  }
0xe8: {  	[sflag:s8] =	ssyncset.done $0x0  }
0xe9: {  	[sflag:s8] =	ssyncadd.s32 $0xFFFFC180  }
.Ltmp3:
0xea: {  	(pc) =	sbr.rel .LBB2_2-.Ltmp3, $3  }
0xeb: {  	_ =	sdelay $0x1  }
0xec: {  	s16 =	sadd.s32 $0x50, s16;
	s10 =	sadd.s32 $0x100, s10;
	s9 =	sadd.s32 $0x1F40, s9  }
0xed: {  	[tilespmem:s14], [sflag:$0x2] =	stream.indirect.gather [hbm4b:s3+s12], $0x400, s16, s12, $0xb8;
	[tilespmem:$0x11900] =	vst v63  }
.LBB2_5:
0xee: {  	_ =	sfence.sel $0x180000  }
0xef: {  	[bflag:$0x0] =	sbarrier.arrive $0xFFFF  }
0xf0: {  	_ =	strace $0x90000047  }
0xf1: {  	s0 =	stileid.u32;
	[bflag:$0x2] =	sbarrier.arrive $0xFFFF  }
0xf2: {  	p0 =	sne.s32 s0, $0x0;
	s0 =	rddreg [dreg:$0x6]  }
0xf3: {  	s0 =	sadd.s32 @!p0 $0x100000, s0  }
0xf4: {  	[sflag:s0] =	ssyncadd.tile.s32 @!p0 $0x1;
	_ =	shalt  }
.Lfunc_end2:
_tile_overlayer_lowered:
.L_overlay_start_2:
0xf5: {  	(tag) =	ssettag $0x2  }
0xf6: {  	s0 =	rddreg [dreg:$0x0];
	s2 =	stileid.u32  }
0xf7: {  	s1 =	rddreg [dreg:$0x1];
	p0 =	sne.s32 s2, $0x0  }
0xf8: {  	s3 =	rddreg [dreg:$0x2];
	[bflag:$0x3] =	sbarrier.arrive $0xFFFF;
	s2 =	simm.s32 @!p0 $0x1C09  }
0xf9: {  	[timem:s3], [sflag:s2] =	dma.local @!p0 [hbm:s0], s1  }
0xfa: {  	s0 =	simm.s32 @!p0 $0x9  }
0xfb: {  	_ =	swait.ge @!p0 [sflag:s0], s1  }
0xfc: {  	s1 =	ssub.s32 @!p0 $0x0, s1;
	[sflag:s0] =	ssyncset.done @!p0 $0x0  }
0xfd: {  	[sflag:s0] =	ssyncadd.s32 @!p0 s1  }
0xfe: {  	[bflag:$0x3] =	sbarrier.arrive $0xFFFF  }
0xff: {  	_ =	shalt  }

// kernel: sparse-core-data-format-call.cloned.1.call-start
scs
called_computation_lowered:
.L_overlay_start_0:
0x0: {  	s2 =	sld [smem:$0x3FD9]  }
0x1: {  	s3 =	sld [smem:$0x3FFE];
	_ =	sdelay $0x1  }
0x2: {  	s1 =	srdreg.scid  }
0x3: {  	s0 =	sand.u32 $0x1, s1  }
0x4: {  	s15 =	sshll.u32 s0, $0xA;
	s2 =	sadd.s32 s3, s2  }
0x5: {  	s2 =	sadd.s32 s2, s15  }
0x6: {  	[smem:$0x3FC5] =	sst s2  }
0x7: {  	_ = 	snop  }
0x8: {  	s2 =	sld [smem:$0x3FD0];
	_ =	sdelay $0x2  }
0x9: {  	s16 =	simm.s32 $0xA;
	s4 =	simm.s32 $0x10  }
0xa: {  	[smem:s4], [sflag:s16] =	dma.local [hbm:s2], $0x1  }
0xb: {  	_ =	swait.eq [sflag:s16], $0x1  }
0xc: {  	[sflag:s16] =	ssyncset.done $0x0  }
0xd: {  	[sflag:s16] =	ssyncadd.s32 $0xFFFFFFFF  }
0xe: {  	s17 =	sld [smem:$0x10];
	(tm) =	ssettm $0x1  }
0xf: {  	s18 =	sld [smem:$0x3FFB];
	_ =	sdelay $0x3  }
0x10: {  	_ =	strace s18  }
0x11: {  	s3 =	sld [smem:$0x3FFC];
	_ =	sdelay $0x3  }
0x12: {  	_ =	strace s3  }
0x13: {  	s3 =	sld [smem:$0x3FFD];
	_ =	sdelay $0x3  }
0x14: {  	_ =	strace s3  }
0x15: {  	_ =	strace $0x8FFFFFFF  }
0x16: {  	s19 =	sld [smem:$0x3FDB];
	_ =	sdelay $0x1  }
0x17: {  	s20 =	simm.s32 $_scs_section_size  }
0x18: {  	s5 =	simm.s32 $_size__tile_overlayer_lowered;
	s6 =	simm.s32 $_tile_overlayer_lowered  }
0x19: {  	s23 =	simm.s32 $0x1BFF;
	s22 =	sshll.u32 s6, $0x1;
	s3 =	sadd.s32 s20, s19  }
0x1a: {  	s7 =	simm.s32 $0x0;
	s21 =	sshll.u32 s5, $0x1;
	s5 =	sadd.s32 s22, s3  }
0x1b: {  	[timem:s7], [sflag:s23] =	dma.local [hbm:s5], s21  }
0x1c: {  	_ =	swait.ge [sflag:s23], s21  }
0x1d: {  	s4 =	ssub.s32 $0x0, s21;
	[sflag:s23] =	ssyncset.done $0x0  }
0x1e: {  	[sflag:s23] =	ssyncadd.s32 s4;
	_ =	sdelay $0x1  }
0x1f: {  	s24 =	simm.s32 $0x1B8B  }
0x20: {  	_ =	swait.ge [sflag:s24], $0x1  }
0x21: {  	[sflag:s24] =	ssyncset.done $0x0  }
0x22: {  	s26 =	simm.s32 $0x1B8E;
	s25 =	sld [smem:$0x3FFE];
	[sflag:s24] =	ssyncadd.s32 $0xFFFFFFFF  }
0x23: {  	s27 =	simm.s32 $execute0_lowered;
	[smem:$0x3FD2] =	sst s26  }
0x24: {  	s5 =	sshll.u32 s27, $0x1;
	_ =	strace $0x80000049;
	[dreg:$0x1] =	wrdreg $0xFFFFFFFF  }
0x25: {  	s28 =	simm.s32 $_size_execute0_lowered;
	s3 =	sadd.s32 s3, s5;
	[dreg:$0x0] =	wrdreg $0x0  }
0x26: {  	s5 =	sshll.u32 s28, $0x1;
	[dreg:$0x2] =	wrdreg s3  }
0x27: {  	[dreg:$0x3] =	wrdreg s5  }
0x28: {  	[dreg:$0x4] =	wrdreg $0xC0  }
0x29: {  	_ =	task [dreg:s7], $0x5FFFF  }
0x2a: {  	[dreg:$0x1] =	wrdreg $0xFFFFFFFF  }
0x2b: {  	[dreg:$0x0] =	wrdreg $0x60  }
0x2c: {  	[dreg:$0x2] =	wrdreg s25  }
0x2d: {  	[dreg:$0x3] =	wrdreg s17  }
0x2e: {  	[dreg:$0x4] =	wrdreg $0x9  }
0x2f: {  	_ =	task.clear_ibuf [dreg:s7], $0x5FFFF;
	_ =	strace $0x90000049  }
0x30: {  	s29 =	simm.s32 $0x9;
	_ =	strace $0x8000004B  }
0x31: {  	_ =	swait.ge [sflag:s29], $0x1  }
0x32: {  	[sflag:s29] =	ssyncadd.s32 $0xFFFFFFFF  }
0x33: {  	_ =	strace $0x9000004B  }
0x34: {  	_ =	sfence  }
0x35: {  	s30 =	sld [smem:$0x0];
	_ =	sdelay $0x2  }
0x36: {  	s31 =	sshll.u32 s1, $0xD;
	s1 =	sshrl.u32 s1, $0x2  }
0x37: {  	s3 =	sand.u32 $0x4000, s31;
	s1 =	sadd.s32 s1, s30  }
0x38: {  	s0 =	sor.u32 s3, s0;
	s1 =	sshll.u32 s1, $0x11  }
0x39: {  	s0 =	sor.u32 s1, s0  }
0x3a: {  	s0 =	sadd.s32 $0x8F2B, s0  }
0x3b: {  	[sflag:s0] =	ssyncadd.remote.s32 $0x1  }
0x3c: {  	_ =	sfence.sel $0xFFFF  }
0x3d: {  	[dreg:$0x0] =	wrdreg $0xFFFFFFFF;
	(pc) =	sbr.abs _section_cstart, $3  }
0x3e: {  	[dreg:$0x1] =	wrdreg $0xFFFFFFFF  }
0x3f: {  	_ =	task.clear_ibuf [dreg:s7], $0x2FFFF;
	_ =	strace $0x9FFFFFFF  }
0x40: {  	(tm) =	ssettm $0x7FFFFFFF  }
0x41: {  	_ =	shalt  }
tec
execute0_lowered:
.L_overlay_start_1:
0x0: {  	(tag) =	ssettag $0x1  }
0x1: {  	s4 =	rddreg [dreg:$0x0]  }
0x2: {  	s2 =	rddreg [dreg:$0x1];
	s1 =	stileid.u32  }
0x3: {  	s3 =	srdreg.scid;
	s0 =	rddreg [dreg:$0x2];
	_ =	strace $0x8000004A  }
0x4: {  	s10 =	simm.s32 $0x2;
	s14 =	simm.s32 $0x0;
	s16 =	simm.s32 $0x0  }
0x5: {  	s12 =	simm.s32 $0x0;
	s15 =	simm.s32 $0x0;
	s3 =	sshll.u32 s3, $0x4  }
0x6: {  	s5 =	sshll.u32 s1, $0x7;
	s4 =	sadd.s32 $0xC00, s4;
	s6 =	sand.u32 $0x10, s3  }
0x7: {  	s3 =	sand.u32 $0x180, s5;
	s5 =	simm.s32 $0x1;
	s8 =	sor.u32 s1, s6  }
0x8: {  	s31 =	ssub.s32 $0xC800, s3;
	[sflag:s5] =	ssyncpa.u1 $0x0;
	s13 =	smov.u32 s3  }
.Ltmp0:
0x9: {  	s7 =	sshll.u32 s8, $0x5;
	s9 =	sand.u32 $0x180, s31;
	(pc) =	sbr.rel .LBB1_1-.Ltmp0, $4  }
0xa: {  	s11 =	sshrl.u32 s31, $0x9;
	p0 =	sne.s32 s9, $0x0;
	s9 =	simm.s32 $0x1  }
0xb: {  	[sflag:s10] =	ssyncpa.u1 $0x0;
	s8 =	sshll.u32 s8, $0x8;
	s9 =	simm.s32 @!p0 $0x0  }
0xc: {  	s10 =	simm.s32 $0x64000;
	s6 =	sand.u32 $0x380, s7;
	s7 =	sadd.s32 s9, s11  }
0xd: {  	p0 =	por $0x0, $0x0;
	s11 =	simm.s32 $0x0;
	s9 =	sadd.s32 $0x1, s7  }
.LBB1_4:
0xe: {  	s22 =	sshrl.u32 s11, $0x3  }
0xf: {  	s23 =	sshll.u32 s12, $0x3;
	s24 =	sand.u32 $0x7F, s12;
	s22 =	smul.u32 $0x64000, s22  }
0x10: {  	v5 =	vld [tilespmem:s18+$0xFFFFFFD0];
	s21 =	sshra.s32 s21, $0x2;
	s25 =	sshra.s32 s12, $0x1F;
	s23 =	sand.u32 $0xFFFFFC00, s23  }
0x11: {  	[tilespmem:s20+$0x2040 ss:$0x81] =	vst.msk $0xffff, v4;
	v58 =	vld [tilespmem:s18+$0xFFFFFFE0];
	p1 =	sgt.s32 s12, $0xC780;
	s25 =	sand.u32 s25, s12;
	s22 =	sadd.s32 s23, s22  }
0x12: {  	[tilespmem:s20+$0x2850 ss:$0x81] =	vst.msk $0xffff, v3;
	v59 =	vld [tilespmem:s18+$0xFFFFFFF0];
	s23 =	sor.u32 s24, s22;
	s22 =	smulhi.u32 $0x51EB851F, s22;
	s24 =	smov.u32 s12  }
0x13: {  	[tilespmem:s20+$0x3060 ss:$0x81] =	vst.msk $0xffff, v2;
	v60 =	vld [tilespmem:s18+$0x0];
	s19 =	sadd.s32 s21, s19;
	s26 =	smulhi.u32 $0x51EB851F, s23;
	s24 =	simm.s32 @!p1 $0xC780  }
0x14: {  	[tilespmem:s20+$0x0 ss:$0x81] =	vst.msk $0xffff, v0;
	v61 =	vld [tilespmem:s18+$0x10];
	p1 =	sgt.s32 s11, $0x368;
	s28 =	sshrl.u32 s22, $0xE;
	s29 =	ssub.s32 s24, s25  }
0x15: {  	[tilespmem:s19+$0x3870 ss:$0x81] =	vst.msk $0xffff, v1;
	s30 =	sshrl.u32 s26, $0xE;
	s31 =	smulhi.u32 $0x418938, s28;
	s25 =	sadd.s32 $0xFFFF3880, s29  }
0x16: {  	v62 =	vld [tilespmem:s18+$0x20];
	[tilespmem:s19+$0x810 ss:$0x81] =	vst.msk $0xffff, v5;
	s22 =	smul.u32 $0xC800, s30;
	p2 =	sgt.s32 s25, $0x7F;
	s25 =	smov.u32 s11  }
0x17: {  	v63 =	vld [tilespmem:s18+$0xFFFFFFC0];
	[tilespmem:s19+$0x1020 ss:$0x81] =	vst.msk $0xffff, v58;
	s21 =	ssub.s32 $0xC800, s29;
	s25 =	simm.s32 @!p1 $0x368;
	s26 =	smul.u32 $0x3E8, s31  }
0x18: {  	[tilespmem:s19+$0x1830 ss:$0x81] =	vst.msk $0xffff, v59;
	s21 =	simm.s32 @p2 $0x0;
	s27 =	ssub.s32 $0x3E8, s25  }
0x19: {  	[tilespmem:s19+$0x2040 ss:$0x81] =	vst.msk $0xffff, v60;
	s22 =	ssub.s32 s23, s22;
	s18 =	ssub.s32 s28, s26;
	s28 =	smul.u32 s27, s21  }
0x1a: {  	[tilespmem:s19+$0x2850 ss:$0x81] =	vst.msk $0xffff, v61;
	s29 =	sshrl.u32 s22, $0x3;
	s22 =	sand.u32 $0x7, s22;
	s18 =	smul.u32 $0x1900, s18  }
0x1b: {  	[tilespmem:s19+$0x3060 ss:$0x81] =	vst.msk $0xffff, v62;
	s21 =	sadd.s32 s2, s29;
	s22 =	sshll.u32 s22, $0x12  }
0x1c: {  	[tilespmem:s19+$0x0 ss:$0x81] =	vst.msk $0xffff, v63;
	s30 =	sand.u32 $0x3FFFFFF8, s28;
	s31 =	sor.u32 $0x400, s22;
	s18 =	sadd.s32 s18, s21  }
0x1d: {  	[hbm4b:s18+s31] =	stream.strided.scatter [tilespmem:s17], [sflag:$0x2], s30, s10, s31, $0x20;
	[tilespmem:$0x10100] =	vst v63  }
.LBB1_5:
0x1e: {  	p1 =	slt.u32 s15, $0x2  }
0x1f: {  	p2 =	sgt.s32 @!p1 s16, $0xC780  }
0x20: {  	s17 =	smov.u32 s16;
	s18 =	sshra.s32 @!p1 s16, $0x1F;
	p2 =	por !p2, p1  }
0x21: {  	s16 =	sand.u32 @!p1 s18, s16;
	s17 =	simm.s32 @p2 $0xC780  }
0x22: {  	s16 =	ssub.s32 @!p1 s17, s16  }
0x23: {  	p2 =	sgt.s32 @!p1 s14, $0x368;
	s17 =	sadd.s32 @!p1 $0xFFFF3880, s16  }
0x24: {  	s18 =	sadd.s32 $0x200, s13;
	p2 =	por !p2, p1;
	p3 =	sgt.s32 @!p1 s17, $0x7F  }
0x25: {  	s14 =	simm.s32 @p2 $0x368;
	s16 =	ssub.s32 @!p1 $0xC800, s16;
	p2 =	por !p3, p1  }
0x26: {  	s14 =	ssub.s32 @!p1 $0x3E8, s14;
	s16 =	simm.s32 @!p2 $0x0;
	p2 =	sgt.s32 s18, $0xC7FF  }
0x27: {  	s14 =	smul.u32 @!p1 s14, s16;
	s18 =	smov.u32 @p2 s3;
	p2 =	sne.s32 s15, s9  }
.Ltmp1:
0x28: {  	s20 =	sadd.s32 $0x1, s15;
	p0 =	por !p0, !p0;
	(pc) =	sbr.rel @!p2 .LBB1_6-.Ltmp1, $4  }
0x29: {  	s17 =	simm.s32 @!p1 $0x2;
	s16 =	smov.u32 s12;
	s14 =	sand.u32 @!p1 $0x3FFFFFFF, s14  }
0x2a: {  	s12 =	smov.u32 s13;
	s15 =	smov.u32 s20;
	_ =	swait.ge @!p1 [sflag:s17], s14  }
0x2b: {  	s13 =	smov.u32 s18;
	s19 =	ssub.s32 @!p1 $0x0, s14;
	[sflag:s17] =	ssyncset.done @!p1 $0x0  }
0x2c: {  	s14 =	smov.u32 s11;
	s11 =	smov.u32 s6;
	[sflag:s17] =	ssyncadd.s32 @!p1 s19  }
.LBB1_1:
0x2d: {  	p1 =	sge.u32 s15, s7  }
0x2e: {  	s17 =	sshll.u32 @!p1 s13, $0xA  }
0x2f: {  	s17 =	sand.u32 @!p1 $0xFFFFE000, s17  }
0x30: {  	s17 =	sor.u32 @!p1 s8, s17  }
0x31: {  	s17 =	sshrl.u32 @!p1 s17, $0xA  }
0x32: {  	s18 =	smulhi.u32 @!p1 $0x28F5C3, s17;
	_ =	sdelay $0x1  }
0x33: {  	s18 =	sshrl.u32 @!p1 s18, $0x5  }
0x34: {  	s18 =	smul.u32 @!p1 $0xC800, s18  }
0x35: {  	s31 =	sadd.s32 $0xFFFFFFFF, s15;
	s19 =	sxor.u32 @!p1 $0xFFFFFFFF, s15;
	s20 =	sshll.u32 @!p1 s13, $0x4  }
0x36: {  	s19 =	sshll.u32 @!p1 s19, $0xE;
	s17 =	ssub.s32 @!p1 s17, s18;
	s18 =	sand.u32 @!p1 $0x70, s20  }
0x37: {  	s19 =	sand.u32 @!p1 $0x4000, s19;
	s17 =	sshll.u32 @!p1 s17, $0x7;
	s18 =	sadd.s32 @!p1 s4, s18  }
0x38: {  	s20 =	simm.s32 @!p1 $0x2000;
	s17 =	sadd.s32 @!p1 s17, s18;
	s18 =	simm.s32 @!p1 $0x400  }
0x39: {  	[tilespmem:s19], [sflag:$0x1] =	stream.strided.gather @!p1 [hbm4b:s17+s18], $0x4000, s20, s18, $0x38;
	[tilespmem:$0x10100] =	vst v63  }
0x3a: {  	p1 =	sge.u32 s31, s7  }
.Ltmp2:
0x3b: {  	_ = 	snop;
	(pc) =	sbr.rel @p1 .LBB1_5-.Ltmp2, $1  }
0x3c: {  	_ =	sdelay $0x3  }
0x3d: {  	s17 =	simm.s32 $0x1  }
0x3e: {  	_ =	swait.ge [sflag:s5], $0x4000;
	s17 =	simm.s32 @!p0 $0x0  }
0x3f: {  	[sflag:s5] =	ssyncset.done $0x0;
	s18 =	sshll.u32 s17, $0xE  }
0x40: {  	[sflag:s5] =	ssyncadd.s32 $0xFFFFC000;
	s18 =	sor.u32 $0x40, s18  }
0x41: {  	s17 =	smul.u32 $0x10200, s17;
	v0 =	vld [tilespmem:s18+$0x30]  }
0x42: {  	v1 =	vld [tilespmem:s18+$0xFFFFFFD0]  }
0x43: {  	s17 =	sshrl.u32 s17, $0x2;
	v5 =	vld [tilespmem:s18+$0xFFFFFFE0]  }
0x44: {  	v6 =	vld [tilespmem:s18+$0xFFFFFFF0];
	s19 =	sor.u32 $0x8000, s17  }
0x45: {  	s31 =	sand.u32 $0x1, s15;
	v4 =	vld [tilespmem:s18+$0x0];
	s20 =	sadd.s32 $0x0, s19  }
0x46: {  	v3 =	vld [tilespmem:s18+$0x10];
	s17 =	smul.u32 $0x10200, s31;
	[tilespmem:s20+$0x3870 ss:$0x81] =	vst.msk $0xffff, v0  }
0x47: {  	v2 =	vld [tilespmem:s18+$0x20];
	[tilespmem:s20+$0x810 ss:$0x81] =	vst.msk $0xffff, v1  }
0x48: {  	s17 =	sshrl.u32 s17, $0x2;
	v0 =	vld [tilespmem:s18+$0xFFFFFFC0];
	[tilespmem:s20+$0x1020 ss:$0x81] =	vst.msk $0xffff, v5;
	s18 =	sadd.s32 $0x80, s18  }
0x49: {  	s21 =	simm.s32 $0x4;
	s22 =	simm.s32 $0x8;
	s17 =	sor.u32 $0x8000, s17;
	[tilespmem:s20+$0x1830 ss:$0x81] =	vst.msk $0xffff, v6;
	v1 =	vld [tilespmem:s18+$0x30]  }
.LBB1_3:
0x4a: {  	p1 =	sne.s32 s22, $0x1FC;
	v5 =	vld [tilespmem:s18+$0xFFFFFFD0];
	[tilespmem:s20+$0x2040 ss:$0x81] =	vst.msk $0xffff, v4  }
0x4b: {  	v6 =	vld [tilespmem:s18+$0xFFFFFFE0];
	[tilespmem:s20+$0x2850 ss:$0x81] =	vst.msk $0xffff, v3  }
0x4c: {  	s23 =	sshra.s32 s21, $0x2;
	s21 =	smov.u32 s22;
	v7 =	vld [tilespmem:s18+$0xFFFFFFF0];
	[tilespmem:s20+$0x3060 ss:$0x81] =	vst.msk $0xffff, v2  }
.Ltmp3:
0x4d: {  	v4 =	vld [tilespmem:s18+$0x0];
	[tilespmem:s20+$0x0 ss:$0x81] =	vst.msk $0xffff, v0;
	s20 =	sadd.s32 s23, s19;
	(pc) =	sbr.rel @p1 .LBB1_3-.Ltmp3, $4  }
0x4e: {  	v3 =	vld [tilespmem:s18+$0x10];
	[tilespmem:s20+$0x3870 ss:$0x81] =	vst.msk $0xffff, v1  }
0x4f: {  	[tilespmem:s20+$0x810 ss:$0x81] =	vst.msk $0xffff, v5;
	v2 =	vld [tilespmem:s18+$0x20]  }
0x50: {  	v0 =	vld [tilespmem:s18+$0xFFFFFFC0];
	[tilespmem:s20+$0x1020 ss:$0x81] =	vst.msk $0xffff, v6;
	s18 =	sadd.s32 $0x80, s18  }
0x51: {  	s22 =	sadd.s32 $0x4, s22;
	v1 =	vld [tilespmem:s18+$0x30];
	[tilespmem:s20+$0x1830 ss:$0x81] =	vst.msk $0xffff, v7  }
.Ltmp4:
0x52: {  	_ = 	snop;
	(pc) =	sbr.rel .LBB1_4-.Ltmp4, $1  }
0x53: {  	_ =	sdelay $0x3  }
.LBB1_6:
0x54: {  	_ =	sfence.sel $0x180000  }
0x55: {  	s2 =	simm.s32 $0x1;
	[bflag:$0x0] =	sbarrier.arrive $0xFFFF  }
0x56: {  	s31 =	simm.s32 $0x2;
	[sflag:s2] =	ssyncpa.u1 $0x1  }
0x57: {  	[sflag:s31] =	ssyncpa.u1 $0x1  }
0x58: {  	p0 =	sne.s32 s1, $0x0;
	_ =	strace $0x9000004A  }
0x59: {  	s0 =	sadd.s32 @!p0 $0x100000, s0;
	[bflag:$0x2] =	sbarrier.arrive $0xFFFF  }
0x5a: {  	[sflag:s0] =	ssyncadd.tile.s32 @!p0 $0x1;
	_ =	shalt  }
.Lfunc_end1:
_tile_overlayer_lowered:
.L_overlay_start_2:
0x5b: {  	(tag) =	ssettag $0x2  }
0x5c: {  	s0 =	rddreg [dreg:$0x0];
	s2 =	stileid.u32  }
0x5d: {  	s1 =	rddreg [dreg:$0x1];
	p0 =	sne.s32 s2, $0x0  }
0x5e: {  	s3 =	rddreg [dreg:$0x2];
	[bflag:$0x3] =	sbarrier.arrive $0xFFFF;
	s2 =	simm.s32 @!p0 $0x1C01  }
0x5f: {  	[timem:s3], [sflag:s2] =	dma.local @!p0 [hbm:s0], s1  }
0x60: {  	s0 =	simm.s32 @!p0 $0x1  }
0x61: {  	_ =	swait.ge @!p0 [sflag:s0], s1  }
0x62: {  	s1 =	ssub.s32 @!p0 $0x0, s1;
	[sflag:s0] =	ssyncset.done @!p0 $0x0  }
0x63: {  	[sflag:s0] =	ssyncadd.s32 @!p0 s1  }
0x64: {  	[bflag:$0x3] =	sbarrier.arrive $0xFFFF  }
0x65: {  	_ =	shalt  }

</sc_bundles>
